<compile_context>
chip_gen: v7x
topology: tpu7x:2x2x1
jax: 0.10.2.dev20260603
libtpu: 0.0.44.dev20260713+nightly
codegen_flags: <defaults>
</compile_context>

<pallas_src>
import jax
import jax.numpy as jnp
from jax import lax
from jax.experimental import pallas as pl
from jax.experimental.pallas import tpu as pltpu
from jax.experimental.pallas import tpu_sc as plsc

_MAXN = 5
_K = 8
_B = 64
_L = 8192
_PAD = 16
_BUF = _PAD + _L + 16
_INF = 1 << 30
_GROUP = 32
_LOW = 0xFFFF


def _row_scan(buf, s, idx16):
    end = s - _K
    tails = plsc.load_gather(buf, [jnp.maximum(_PAD + s - 1 - idx16, 0)])
    tails = tails & _LOW
    t = [jnp.max(jnp.where(idx16 == i, tails, 0)) for i in range(_MAXN)]
    t01 = t[0] | (t[1] << 16)
    t23 = t[2] | (t[3] << 16)

    def fast_group(base):
        acc = None
        for g in range(_GROUP):
            m = buf[pl.ds(_PAD + base + g * 16, 16)] == t01
            acc = m if acc is None else (acc | m)
        return plsc.all_reduce_population_count(acc)[0] > 0

    def slow_group(base, es):
        def one_chunk(g, es):
            off = _PAD + base + g * 16
            pos = base + g * 16 + idx16
            p0 = buf[pl.ds(off, 16)]
            p2 = buf[pl.ds(off - 2, 16)]
            p4 = buf[pl.ds(off - 4, 16)]
            m2 = (p0 == t01) & (pos < end)
            m3 = m2 & ((p2 & _LOW) == t[2])
            m4 = m2 & (p2 == t23)
            m5 = m4 & ((p4 & _LOW) == t[4])
            e2, e3, e4, e5 = es
            e2 = jnp.minimum(e2, jnp.min(jnp.where(m2, pos, _INF)))
            e3 = jnp.minimum(e3, jnp.min(jnp.where(m3, pos, _INF)))
            e4 = jnp.minimum(e4, jnp.min(jnp.where(m4, pos, _INF)))
            e5 = jnp.minimum(e5, jnp.min(jnp.where(m5, pos, _INF)))
            return e2, e3, e4, e5
        return lax.fori_loop(0, _GROUP, one_chunk, es)

    def cond(c):
        return (c[0] < end) & (c[4] >= _INF)

    def body(c):
        base = c[0]
        es = c[1:]
        hit = fast_group(base)
        es = lax.cond(hit, lambda: slow_group(base, es), lambda: es)
        return (base + _GROUP * 16,) + es

    inf = jnp.int32(_INF)
    out = lax.while_loop(cond, body, (jnp.int32(0), inf, inf, inf, inf))
    return out[1:]


def _make_body(num_cores, n_workers):
    rows_per_worker = _B // n_workers

    def body(nums_hbm, toks_hbm, out_hbm,
             nums_v, buf0, buf1, stage, sem0, sem1, semn):
        wid = lax.axis_index("s") * num_cores + lax.axis_index("c")
        idx16 = lax.iota(jnp.int32, 16)
        nums_cp = pltpu.async_copy(nums_hbm, nums_v, semn)

        bufs = (buf0, buf1)
        sems = (sem0, sem1)
        copies = []
        for r in range(rows_per_worker):
            row = wid * rows_per_worker + r
            bufs[r][pl.ds(0, 16)] = jnp.full((16,), -1, jnp.int32)
            copies.append(pltpu.async_copy(
                toks_hbm.at[pl.ds(row * _L, _L)],
                bufs[r].at[pl.ds(_PAD, _L)], sems[r]))
        nums_cp.wait()

        for r in range(rows_per_worker):
            copies[r].wait()
            row = wid * rows_per_worker + r
            buf = bufs[r]
            base16 = (row // 16) * 16
            lane = row - base16
            s = jnp.max(jnp.where(idx16 == lane, nums_v[pl.ds(base16, 16)], 0))
            e2, e3, e4, e5 = _row_scan(buf, s, idx16)
            best = jnp.where(e5 < _INF, e5,
                             jnp.where(e4 < _INF, e4,
                                       jnp.where(e3 < _INF, e3, e2)))
            has = best < _INF
            start = jnp.where(has, best + 1, 0)
            ext = buf[pl.ds(_PAD + start, 16)] & _LOW
            stage[...] = jnp.where(has & (idx16 < _K), ext, 0)
            pltpu.sync_copy(stage.at[pl.ds(0, _K)],
                            out_hbm.at[pl.ds(row * _K, _K)])

    return body


def kernel(num_tokens_no_spec, token_ids_gpu, combined_mask):
    s_eff = jnp.where(combined_mask, num_tokens_no_spec, 0).astype(jnp.int32)
    flat = token_ids_gpu.reshape(_B * _L)
    prev = jnp.concatenate([jnp.full((1,), -1, jnp.int32), flat[:-1]])
    pos = jax.lax.iota(jnp.int32, _B * _L)
    col = pos & (_L - 1)
    pair = flat | (jnp.where(col == 0, -1, prev) << 16)
    mesh = plsc.VectorSubcoreMesh(core_axis_name="c", subcore_axis_name="s")
    n_workers = mesh.num_cores * mesh.num_subcores
    out = pl.kernel(
        _make_body(mesh.num_cores, n_workers),
        out_type=jax.ShapeDtypeStruct((_B * _K,), jnp.int32),
        mesh=mesh,
        compiler_params=pltpu.CompilerParams(
            needs_layout_passes=False, use_tc_tiling_on_sc=False),
        scratch_types=[
            pltpu.VMEM((_B,), jnp.int32),
            pltpu.VMEM((_BUF,), jnp.int32),
            pltpu.VMEM((_BUF,), jnp.int32),
            pltpu.VMEM((16,), jnp.int32),
            pltpu.SemaphoreType.DMA,
            pltpu.SemaphoreType.DMA,
            pltpu.SemaphoreType.DMA,
        ],
    )(s_eff, pair)
    return out.reshape(_B, _K)

# --- scband reference (transcript-rebuilt; emitter-appended) ---
"""Pipeline reference for scband-ngram-gpukernel-40896678593078 (READ-ONLY COPY).

The authoritative reference and input builder live on the scoring server;
editing this copy changes nothing except your own understanding.
"""

import jax, jax.numpy as jnp
import numpy as np

MIN_N = 2
MAX_N = 5
K = 8


def setup_inputs(seed: int = 0) -> dict:
    key = jax.random.key(seed)
    k1, k2, k3 = jax.random.split(key, 3)
    B, L = 64, 8192
    token_ids_gpu = jax.random.randint(k1, (B, L), 0, 512).astype(jnp.int32)
    num_tokens_no_spec = jax.random.randint(k2, (B,), 0, L).astype(jnp.int32)
    combined_mask = jax.random.randint(k3, (B,), 0, 2).astype(bool)
    return {
        "num_tokens_no_spec": num_tokens_no_spec,
        "token_ids_gpu": token_ids_gpu,
        "combined_mask": combined_mask,
    }


def _find_first_and_extract_all_n_parallel(data, seq_lengths, min_pattern_len, max_pattern_len, result_len):
    B, L = data.shape
    num_patterns = max_pattern_len - min_pattern_len + 1
    num_windows = L - max_pattern_len + 1
    widx = jnp.arange(num_windows)[:, None] + jnp.arange(max_pattern_len)[None, :]
    all_windows = data[:, widx]  # [B, num_windows, max_pattern_len] (torch unfold)
    window_starts = jnp.arange(num_windows)
    pattern_lengths = jnp.arange(min_pattern_len, max_pattern_len + 1)
    batch_indices = jnp.arange(B)
    cols = []
    for pattern_len in range(min_pattern_len, max_pattern_len + 1):
        offset = max_pattern_len - pattern_len
        pattern_starts = seq_lengths - pattern_len
        pattern_indices = jnp.clip(pattern_starts[:, None] + jnp.arange(pattern_len)[None, :], 0, None)
        patterns = jnp.take_along_axis(data, pattern_indices, axis=1)  # [B, pattern_len]
        current_windows = all_windows[..., offset:]
        matches = jnp.all(current_windows == patterns[:, None, :], axis=-1)  # [B, num_windows]
        max_valid_pattern_start = seq_lengths - pattern_len - result_len
        pattern_start_positions = window_starts + offset
        valid_mask = pattern_start_positions[None, :] <= max_valid_pattern_start[:, None]
        final_matches = matches & valid_mask
        prefix_positions = jnp.arange(offset)
        gather_indices = jnp.clip(prefix_positions[:, None] + jnp.arange(pattern_len)[None, :], 0, L - 1)
        prefix_tokens = data[:, gather_indices]  # [B, offset, pattern_len]
        prefix_matches = jnp.all(prefix_tokens == patterns[:, None, :], axis=-1)  # [B, offset]
        prefix_valid_mask = prefix_positions[None, :] <= max_valid_pattern_start[:, None]
        prefix_final_matches = prefix_matches & prefix_valid_mask
        combined_matches = jnp.concatenate([prefix_final_matches, final_matches], axis=1)
        start_positions = jnp.concatenate([prefix_positions, pattern_start_positions], axis=0)
        first_indices = jnp.argmax(combined_matches.astype(jnp.int32), axis=1)
        has_match = jnp.take_along_axis(combined_matches, first_indices[:, None], axis=1)[:, 0]
        match_positions = start_positions[first_indices]
        cols.append(jnp.where(has_match, match_positions, -1))
    all_first_matches = jnp.stack(cols, axis=1)  # [B, num_patterns]
    rev = jnp.flip((all_first_matches >= 0).astype(jnp.int32), axis=1)
    best_pattern_idx = num_patterns - 1 - jnp.argmax(rev, axis=1)
    best_match_pos = jnp.take_along_axis(all_first_matches, best_pattern_idx[:, None], axis=1)[:, 0]
    has_any_match = best_match_pos >= 0
    best_pattern_lengths = pattern_lengths[best_pattern_idx]
    result_starts = jnp.where(has_any_match, best_match_pos + best_pattern_lengths, jnp.zeros_like(best_match_pos))
    result_indices = jnp.clip(result_starts[:, None] + jnp.arange(result_len)[None, :], 0, L - 1)
    extracted_sequences = jnp.take_along_axis(data, result_indices, axis=1)
    results = jnp.where(has_any_match[:, None], extracted_sequences, jnp.zeros_like(extracted_sequences))
    return results


def reference(num_tokens_no_spec, token_ids_gpu, combined_mask):
    B = token_ids_gpu.shape[0]
    results = _find_first_and_extract_all_n_parallel(
        token_ids_gpu, num_tokens_no_spec, MIN_N, MAX_N, K
    )
    draft_tokens = jnp.zeros((B, K), dtype=jnp.int32)
    mask = jnp.broadcast_to(combined_mask[:, None], (B, K))
    draft_tokens = jnp.where(mask, results.astype(jnp.int32), draft_tokens)
    return draft_tokens

if __name__ == "__main__":
    import jax
    _d = setup_inputs()
    print(jax.jit(kernel)(*tuple(_d.values())))

</pallas_src>

<mosaic_0001>
#map = affine_map<(d0, d1) -> (0)>
module attributes {stable_mosaic.version = 14 : i64} {
  func.func @body(%arg0: i32, %arg1: i32, %arg2: memref<64xi32, #tpu.memory_space<hbm>>, %arg3: memref<524288xi32, #tpu.memory_space<hbm>>, %arg4: memref<512xi32, #tpu.memory_space<hbm>>, %arg5: memref<64xi32, #tpu.memory_space<vmem>>, %arg6: memref<8224xi32, #tpu.memory_space<vmem>>, %arg7: memref<8224xi32, #tpu.memory_space<vmem>>, %arg8: memref<16xi32, #tpu.memory_space<vmem>>, %arg9: memref<!tpu.dma_semaphore, #tpu.memory_space<semaphore_mem>>, %arg10: memref<!tpu.dma_semaphore, #tpu.memory_space<semaphore_mem>>, %arg11: memref<!tpu.dma_semaphore, #tpu.memory_space<semaphore_mem>>) attributes {dimension_semantics = [#tpu.dimension_semantics<core_parallel>, #tpu.dimension_semantics<subcore_parallel>], iteration_bounds = array<i64: 2, 16>, scalar_prefetch = 0 : i64, scratch_operands = 7 : i64, tpu.core_type = #tpu.core_type<sc_vector_subcore>, window_params = [{transform_indices = #map}, {transform_indices = #map}, {transform_indices = #map}]} {
    %mul3A = arith.constant 2 : i32
    %mul3A_0 = arith.muli %arg1, %mul3A : i32
    %add3A = arith.addi %mul3A_0, %arg0 : i32
    %iota3A = tpu.iota {dimensions = array<i32: 0>} : vector<16xi32>
    tpu.enqueue_dma source(%arg2 : memref<64xi32, #tpu.memory_space<hbm>>) target(%arg5 : memref<64xi32, #tpu.memory_space<vmem>>) target_semaphore(%arg11 : memref<!tpu.dma_semaphore, #tpu.memory_space<semaphore_mem>>)
    %mul3A_1 = arith.constant 2 : i32
    %mul3A_2 = arith.muli %add3A, %mul3A_1 : i32
    %add3A_3 = arith.constant 0 : i32
    %add3A_4 = arith.addi %mul3A_2, %add3A_3 : i32
    %broadcast_in_dim3A = arith.constant -1 : i32
    %broadcast_in_dim3A_5 = vector.broadcast %broadcast_in_dim3A : i32 to vector<16xi32>
    %swap3A = arith.constant 0 : index
    %swap3A_6 = tpu.vector_load %arg6[%swap3A] {strides = array<i32>} : memref<8224xi32, #tpu.memory_space<vmem>>, vector<16xi32>,
    tpu.vector_store %arg6[%swap3A], %broadcast_in_dim3A_5 {strides = array<i32>} : memref<8224xi32, #tpu.memory_space<vmem>>, vector<16xi32>,
    %mul3A_7 = arith.constant 8192 : i32
    %mul3A_8 = arith.muli %add3A_4, %mul3A_7 : i32
    %dma_start3A = arith.constant 16 : i32
    %dma_start3A_9 = tpu.memref_slice %arg6[%dma_start3A] : memref<8224xi32, #tpu.memory_space<vmem>> -> memref<8192xi32, #tpu.memory_space<vmem>>
    %dma_start3A_10 = tpu.memref_slice %arg3[%mul3A_8] : memref<524288xi32, #tpu.memory_space<hbm>> -> memref<8192xi32, #tpu.memory_space<hbm>>
    %dma_start3A_11 = arith.constant 16 : i32
    %dma_start3A_12 = tpu.memref_slice %arg6[%dma_start3A_11] : memref<8224xi32, #tpu.memory_space<vmem>> -> memref<8192xi32, #tpu.memory_space<vmem>>
    %dma_start3A_13 = tpu.memref_slice %arg3[%mul3A_8] : memref<524288xi32, #tpu.memory_space<hbm>> -> memref<8192xi32, #tpu.memory_space<hbm>>
    tpu.enqueue_dma source(%dma_start3A_13 : memref<8192xi32, #tpu.memory_space<hbm>>) target(%dma_start3A_12 : memref<8192xi32, #tpu.memory_space<vmem>>) target_semaphore(%arg9 : memref<!tpu.dma_semaphore, #tpu.memory_space<semaphore_mem>>)
    %mul3A_14 = arith.constant 2 : i32
    %mul3A_15 = arith.muli %add3A, %mul3A_14 : i32
    %add3A_16 = arith.constant 1 : i32
    %add3A_17 = arith.addi %mul3A_15, %add3A_16 : i32
    %broadcast_in_dim3A_18 = arith.constant -1 : i32
    %broadcast_in_dim3A_19 = vector.broadcast %broadcast_in_dim3A_18 : i32 to vector<16xi32>
    %swap3A_20 = arith.constant 0 : index
    %swap3A_21 = tpu.vector_load %arg7[%swap3A_20] {strides = array<i32>} : memref<8224xi32, #tpu.memory_space<vmem>>, vector<16xi32>,
    tpu.vector_store %arg7[%swap3A_20], %broadcast_in_dim3A_19 {strides = array<i32>} : memref<8224xi32, #tpu.memory_space<vmem>>, vector<16xi32>,
    %mul3A_22 = arith.constant 8192 : i32
    %mul3A_23 = arith.muli %add3A_17, %mul3A_22 : i32
    %dma_start3A_24 = arith.constant 16 : i32
    %dma_start3A_25 = tpu.memref_slice %arg7[%dma_start3A_24] : memref<8224xi32, #tpu.memory_space<vmem>> -> memref<8192xi32, #tpu.memory_space<vmem>>
    %dma_start3A_26 = tpu.memref_slice %arg3[%mul3A_23] : memref<524288xi32, #tpu.memory_space<hbm>> -> memref<8192xi32, #tpu.memory_space<hbm>>
    %dma_start3A_27 = arith.constant 16 : i32
    %dma_start3A_28 = tpu.memref_slice %arg7[%dma_start3A_27] : memref<8224xi32, #tpu.memory_space<vmem>> -> memref<8192xi32, #tpu.memory_space<vmem>>
    %dma_start3A_29 = tpu.memref_slice %arg3[%mul3A_23] : memref<524288xi32, #tpu.memory_space<hbm>> -> memref<8192xi32, #tpu.memory_space<hbm>>
    tpu.enqueue_dma source(%dma_start3A_29 : memref<8192xi32, #tpu.memory_space<hbm>>) target(%dma_start3A_28 : memref<8192xi32, #tpu.memory_space<vmem>>) target_semaphore(%arg10 : memref<!tpu.dma_semaphore, #tpu.memory_space<semaphore_mem>>)
    tpu.wait_dma2 semaphore(%arg11 : memref<!tpu.dma_semaphore, #tpu.memory_space<semaphore_mem>>) src(%arg2 : memref<64xi32, #tpu.memory_space<hbm>>) dst(%arg5 : memref<64xi32, #tpu.memory_space<vmem>>)
    %dma_wait3A = arith.constant 16 : i32
    %dma_wait3A_30 = tpu.memref_slice %arg6[%dma_wait3A] : memref<8224xi32, #tpu.memory_space<vmem>> -> memref<8192xi32, #tpu.memory_space<vmem>>
    %dma_wait3A_31 = tpu.memref_slice %arg3[%mul3A_8] : memref<524288xi32, #tpu.memory_space<hbm>> -> memref<8192xi32, #tpu.memory_space<hbm>>
    %dma_wait3A_32 = arith.constant 16 : i32
    %dma_wait3A_33 = tpu.memref_slice %arg6[%dma_wait3A_32] : memref<8224xi32, #tpu.memory_space<vmem>> -> memref<8192xi32, #tpu.memory_space<vmem>>
    %dma_wait3A_34 = tpu.memref_slice %arg3[%mul3A_8] : memref<524288xi32, #tpu.memory_space<hbm>> -> memref<8192xi32, #tpu.memory_space<hbm>>
    tpu.wait_dma2 semaphore(%arg9 : memref<!tpu.dma_semaphore, #tpu.memory_space<semaphore_mem>>) src(%dma_wait3A_34 : memref<8192xi32, #tpu.memory_space<hbm>>) dst(%dma_wait3A_33 : memref<8192xi32, #tpu.memory_space<vmem>>)
    %mul3A_35 = arith.constant 2 : i32
    %mul3A_36 = arith.muli %add3A, %mul3A_35 : i32
    %add3A_37 = arith.constant 0 : i32
    %add3A_38 = arith.addi %mul3A_36, %add3A_37 : i32
    %jit3A = arith.constant 16 : i32
    %div3A = arith.divsi %add3A_38, %jit3A : i32
    %sign3A = arith.constant 0 : i32
    %sign3A_39 = arith.cmpi sgt, %add3A_38, %sign3A : i32
    %sign3A_40 = arith.extui %sign3A_39 : i1 to i32
    %sign3A_41 = arith.constant 0 : i32
    %sign3A_42 = arith.cmpi slt, %add3A_38, %sign3A_41 : i32
    %sign3A_43 = arith.extui %sign3A_42 : i1 to i32
    %sign3A_44 = arith.subi %sign3A_40, %sign3A_43 : i32
    %sign3A_45 = arith.constant 0 : i32
    %sign3A_46 = arith.cmpi sgt, %jit3A, %sign3A_45 : i32
    %sign3A_47 = arith.extui %sign3A_46 : i1 to i32
    %sign3A_48 = arith.constant 0 : i32
    %sign3A_49 = arith.cmpi slt, %jit3A, %sign3A_48 : i32
    %sign3A_50 = arith.extui %sign3A_49 : i1 to i32
    %sign3A_51 = arith.subi %sign3A_47, %sign3A_50 : i32
    %ne3A = arith.cmpi ne, %sign3A_44, %sign3A_51 : i32
    %rem3A = arith.remsi %add3A_38, %jit3A : i32
    %ne3A_52 = arith.constant 0 : i32
    %ne3A_53 = arith.cmpi ne, %rem3A, %ne3A_52 : i32
    %and3A = arith.andi %ne3A, %ne3A_53 : i1
    %sub3A = arith.constant 1 : i32
    %sub3A_54 = arith.subi %div3A, %sub3A : i32
    %select_n3A = arith.select %and3A, %sub3A_54, %div3A : i32
    %mul3A_55 = arith.constant 16 : i32
    %mul3A_56 = arith.muli %select_n3A, %mul3A_55 : i32
    %sub3A_57 = arith.subi %add3A_38, %mul3A_56 : i32
    %eq3A = vector.broadcast %sub3A_57 : i32 to vector<16xi32>
    %eq3A_58 = arith.cmpi eq, %iota3A, %eq3A : vector<16xi32>
    %get3A = arith.index_cast %mul3A_56 : i32 to index
    %get3A_59 = tpu.vector_load %arg5[%get3A] {strides = array<i32>} : memref<64xi32, #tpu.memory_space<vmem>>, vector<16xi32>,
    %jit3A_60 = arith.constant 0 : i32
    %broadcast_in_dim3A_61 = vector.broadcast %jit3A_60 : i32 to vector<16xi32>
    %select_n3A_62 = arith.select %eq3A_58, %get3A_59, %broadcast_in_dim3A_61 : vector<16xi1>, vector<16xi32>
    %reduce_max3A = arith.constant true
    %reduce_max3A_63 = vector.broadcast %reduce_max3A : i1 to vector<16xi1>
    %reduce_max3A_64 = arith.constant -2147483648 : i32
    %reduce_max3A_65 = vector.broadcast %reduce_max3A_64 : i32 to vector<16xi32>
    %reduce_max3A_66 = arith.xori %select_n3A_62, %reduce_max3A_65 : vector<16xi32>
    %reduce_max3A_67 = tpu.scan <max>, %reduce_max3A_66 masked %reduce_max3A_63 : vector<16xi32>, vector<16xi1> -> vector<16xi32>
    %reduce_max3A_68 = arith.xori %reduce_max3A_67, %reduce_max3A_65 : vector<16xi32>
    %reduce_max3A_69 = vector.extract %reduce_max3A_68[15] : i32 from vector<16xi32>
    %sub3A_70 = arith.constant 8 : i32
    %sub3A_71 = arith.subi %reduce_max3A_69, %sub3A_70 : i32
    %add3A_72 = arith.constant 16 : i32
    %add3A_73 = arith.addi %add3A_72, %reduce_max3A_69 : i32
    %sub3A_74 = arith.constant 1 : i32
    %sub3A_75 = arith.subi %add3A_73, %sub3A_74 : i32
    %sub3A_76 = vector.broadcast %sub3A_75 : i32 to vector<16xi32>
    %sub3A_77 = arith.subi %sub3A_76, %iota3A : vector<16xi32>
    %max3A = arith.constant 0 : i32
    %max3A_78 = vector.broadcast %max3A : i32 to vector<16xi32>
    %max3A_79 = arith.maxsi %sub3A_77, %max3A_78 : vector<16xi32>
    %gather3A = tpu.vector_load_idx %arg6[%max3A_79] : memref<8224xi32, #tpu.memory_space<vmem>>[vector<16xi32>], vector<16xi32>,
    %and3A_80 = arith.constant 65535 : i32
    %and3A_81 = vector.broadcast %and3A_80 : i32 to vector<16xi32>
    %and3A_82 = arith.andi %gather3A, %and3A_81 : vector<16xi32>
    %eq3A_83 = arith.constant 0 : i32
    %eq3A_84 = vector.broadcast %eq3A_83 : i32 to vector<16xi32>
    %eq3A_85 = arith.cmpi eq, %iota3A, %eq3A_84 : vector<16xi32>
    %jit3A_86 = arith.constant 0 : i32
    %broadcast_in_dim3A_87 = vector.broadcast %jit3A_86 : i32 to vector<16xi32>
    %select_n3A_88 = arith.select %eq3A_85, %and3A_82, %broadcast_in_dim3A_87 : vector<16xi1>, vector<16xi32>
    %reduce_max3A_89 = arith.constant true
    %reduce_max3A_90 = vector.broadcast %reduce_max3A_89 : i1 to vector<16xi1>
    %reduce_max3A_91 = arith.constant -2147483648 : i32
    %reduce_max3A_92 = vector.broadcast %reduce_max3A_91 : i32 to vector<16xi32>
    %reduce_max3A_93 = arith.xori %select_n3A_88, %reduce_max3A_92 : vector<16xi32>
    %reduce_max3A_94 = tpu.scan <max>, %reduce_max3A_93 masked %reduce_max3A_90 : vector<16xi32>, vector<16xi1> -> vector<16xi32>
    %reduce_max3A_95 = arith.xori %reduce_max3A_94, %reduce_max3A_92 : vector<16xi32>
    %reduce_max3A_96 = vector.extract %reduce_max3A_95[15] : i32 from vector<16xi32>
    %eq3A_97 = arith.constant 1 : i32
    %eq3A_98 = vector.broadcast %eq3A_97 : i32 to vector<16xi32>
    %eq3A_99 = arith.cmpi eq, %iota3A, %eq3A_98 : vector<16xi32>
    %jit3A_100 = arith.constant 0 : i32
    %broadcast_in_dim3A_101 = vector.broadcast %jit3A_100 : i32 to vector<16xi32>
    %select_n3A_102 = arith.select %eq3A_99, %and3A_82, %broadcast_in_dim3A_101 : vector<16xi1>, vector<16xi32>
    %reduce_max3A_103 = arith.constant true
    %reduce_max3A_104 = vector.broadcast %reduce_max3A_103 : i1 to vector<16xi1>
    %reduce_max3A_105 = arith.constant -2147483648 : i32
    %reduce_max3A_106 = vector.broadcast %reduce_max3A_105 : i32 to vector<16xi32>
    %reduce_max3A_107 = arith.xori %select_n3A_102, %reduce_max3A_106 : vector<16xi32>
    %reduce_max3A_108 = tpu.scan <max>, %reduce_max3A_107 masked %reduce_max3A_104 : vector<16xi32>, vector<16xi1> -> vector<16xi32>
    %reduce_max3A_109 = arith.xori %reduce_max3A_108, %reduce_max3A_106 : vector<16xi32>
    %reduce_max3A_110 = vector.extract %reduce_max3A_109[15] : i32 from vector<16xi32>
    %eq3A_111 = arith.constant 2 : i32
    %eq3A_112 = vector.broadcast %eq3A_111 : i32 to vector<16xi32>
    %eq3A_113 = arith.cmpi eq, %iota3A, %eq3A_112 : vector<16xi32>
    %jit3A_114 = arith.constant 0 : i32
    %broadcast_in_dim3A_115 = vector.broadcast %jit3A_114 : i32 to vector<16xi32>
    %select_n3A_116 = arith.select %eq3A_113, %and3A_82, %broadcast_in_dim3A_115 : vector<16xi1>, vector<16xi32>
    %reduce_max3A_117 = arith.constant true
    %reduce_max3A_118 = vector.broadcast %reduce_max3A_117 : i1 to vector<16xi1>
    %reduce_max3A_119 = arith.constant -2147483648 : i32
    %reduce_max3A_120 = vector.broadcast %reduce_max3A_119 : i32 to vector<16xi32>
    %reduce_max3A_121 = arith.xori %select_n3A_116, %reduce_max3A_120 : vector<16xi32>
    %reduce_max3A_122 = tpu.scan <max>, %reduce_max3A_121 masked %reduce_max3A_118 : vector<16xi32>, vector<16xi1> -> vector<16xi32>
    %reduce_max3A_123 = arith.xori %reduce_max3A_122, %reduce_max3A_120 : vector<16xi32>
    %reduce_max3A_124 = vector.extract %reduce_max3A_123[15] : i32 from vector<16xi32>
    %eq3A_125 = arith.constant 3 : i32
    %eq3A_126 = vector.broadcast %eq3A_125 : i32 to vector<16xi32>
    %eq3A_127 = arith.cmpi eq, %iota3A, %eq3A_126 : vector<16xi32>
    %jit3A_128 = arith.constant 0 : i32
    %broadcast_in_dim3A_129 = vector.broadcast %jit3A_128 : i32 to vector<16xi32>
    %select_n3A_130 = arith.select %eq3A_127, %and3A_82, %broadcast_in_dim3A_129 : vector<16xi1>, vector<16xi32>
    %reduce_max3A_131 = arith.constant true
    %reduce_max3A_132 = vector.broadcast %reduce_max3A_131 : i1 to vector<16xi1>
    %reduce_max3A_133 = arith.constant -2147483648 : i32
    %reduce_max3A_134 = vector.broadcast %reduce_max3A_133 : i32 to vector<16xi32>
    %reduce_max3A_135 = arith.xori %select_n3A_130, %reduce_max3A_134 : vector<16xi32>
    %reduce_max3A_136 = tpu.scan <max>, %reduce_max3A_135 masked %reduce_max3A_132 : vector<16xi32>, vector<16xi1> -> vector<16xi32>
    %reduce_max3A_137 = arith.xori %reduce_max3A_136, %reduce_max3A_134 : vector<16xi32>
    %reduce_max3A_138 = vector.extract %reduce_max3A_137[15] : i32 from vector<16xi32>
    %eq3A_139 = arith.constant 4 : i32
    %eq3A_140 = vector.broadcast %eq3A_139 : i32 to vector<16xi32>
    %eq3A_141 = arith.cmpi eq, %iota3A, %eq3A_140 : vector<16xi32>
    %jit3A_142 = arith.constant 0 : i32
    %broadcast_in_dim3A_143 = vector.broadcast %jit3A_142 : i32 to vector<16xi32>
    %select_n3A_144 = arith.select %eq3A_141, %and3A_82, %broadcast_in_dim3A_143 : vector<16xi1>, vector<16xi32>
    %reduce_max3A_145 = arith.constant true
    %reduce_max3A_146 = vector.broadcast %reduce_max3A_145 : i1 to vector<16xi1>
    %reduce_max3A_147 = arith.constant -2147483648 : i32
    %reduce_max3A_148 = vector.broadcast %reduce_max3A_147 : i32 to vector<16xi32>
    %reduce_max3A_149 = arith.xori %select_n3A_144, %reduce_max3A_148 : vector<16xi32>
    %reduce_max3A_150 = tpu.scan <max>, %reduce_max3A_149 masked %reduce_max3A_146 : vector<16xi32>, vector<16xi1> -> vector<16xi32>
    %reduce_max3A_151 = arith.xori %reduce_max3A_150, %reduce_max3A_148 : vector<16xi32>
    %reduce_max3A_152 = vector.extract %reduce_max3A_151[15] : i32 from vector<16xi32>
    %shift_left3A = arith.constant 16 : i32
    %shift_left3A_153 = arith.shli %reduce_max3A_110, %shift_left3A : i32
    %or3A = arith.ori %reduce_max3A_96, %shift_left3A_153 : i32
    %shift_left3A_154 = arith.constant 16 : i32
    %shift_left3A_155 = arith.shli %reduce_max3A_138, %shift_left3A_154 : i32
    %or3A_156 = arith.ori %reduce_max3A_124, %shift_left3A_155 : i32
    %while3A = arith.constant 0 : i32
    %while3A_157 = arith.constant 1073741824 : i32
    %while3A_158 = arith.constant 1073741824 : i32
    %while3A_159 = arith.constant 1073741824 : i32
    %while3A_160 = arith.constant 1073741824 : i32
    %while3A_161:5 = scf.while (%while3A_378 = %while3A, %while3A_379 = %while3A_157, %while3A_380 = %while3A_158, %while3A_381 = %while3A_159, %while3A_382 = %while3A_160) : (i32, i32, i32, i32, i32) -> (i32, i32, i32, i32, i32) {
      %lt3A_383 = arith.cmpi slt, %while3A_378, %sub3A_71 : i32
      %ge3A = arith.constant 1073741824 : i32
      %ge3A_384 = arith.cmpi sge, %while3A_382, %ge3A : i32
      %and3A_385 = arith.andi %lt3A_383, %ge3A_384 : i1
      scf.condition(%and3A_385) %while3A_378, %while3A_379, %while3A_380, %while3A_381, %while3A_382 : i32, i32, i32, i32, i32
    } do {
    ^bb0(%while3A_378: i32, %while3A_379: i32, %while3A_380: i32, %while3A_381: i32, %while3A_382: i32):
      %add3A_383 = arith.constant 16 : i32
      %add3A_384 = arith.addi %add3A_383, %while3A_378 : i32
      %add3A_385 = arith.constant 0 : i32
      %add3A_386 = arith.addi %add3A_384, %add3A_385 : i32
      %get3A_387 = arith.index_cast %add3A_386 : i32 to index
      %get3A_388 = tpu.vector_load %arg6[%get3A_387] {strides = array<i32>} : memref<8224xi32, #tpu.memory_space<vmem>>, vector<16xi32>,
      %eq3A_389 = vector.broadcast %or3A : i32 to vector<16xi32>
      %eq3A_390 = arith.cmpi eq, %get3A_388, %eq3A_389 : vector<16xi32>
      %add3A_391 = arith.constant 16 : i32
      %add3A_392 = arith.addi %add3A_391, %while3A_378 : i32
      %add3A_393 = arith.constant 16 : i32
      %add3A_394 = arith.addi %add3A_392, %add3A_393 : i32
      %get3A_395 = arith.index_cast %add3A_394 : i32 to index
      %get3A_396 = tpu.vector_load %arg6[%get3A_395] {strides = array<i32>} : memref<8224xi32, #tpu.memory_space<vmem>>, vector<16xi32>,
      %eq3A_397 = vector.broadcast %or3A : i32 to vector<16xi32>
      %eq3A_398 = arith.cmpi eq, %get3A_396, %eq3A_397 : vector<16xi32>
      %or3A_399 = arith.ori %eq3A_390, %eq3A_398 : vector<16xi1>
      %add3A_400 = arith.constant 16 : i32
      %add3A_401 = arith.addi %add3A_400, %while3A_378 : i32
      %add3A_402 = arith.constant 32 : i32
      %add3A_403 = arith.addi %add3A_401, %add3A_402 : i32
      %get3A_404 = arith.index_cast %add3A_403 : i32 to index
      %get3A_405 = tpu.vector_load %arg6[%get3A_404] {strides = array<i32>} : memref<8224xi32, #tpu.memory_space<vmem>>, vector<16xi32>,
      %eq3A_406 = vector.broadcast %or3A : i32 to vector<16xi32>
      %eq3A_407 = arith.cmpi eq, %get3A_405, %eq3A_406 : vector<16xi32>
      %or3A_408 = arith.ori %or3A_399, %eq3A_407 : vector<16xi1>
      %add3A_409 = arith.constant 16 : i32
      %add3A_410 = arith.addi %add3A_409, %while3A_378 : i32
      %add3A_411 = arith.constant 48 : i32
      %add3A_412 = arith.addi %add3A_410, %add3A_411 : i32
      %get3A_413 = arith.index_cast %add3A_412 : i32 to index
      %get3A_414 = tpu.vector_load %arg6[%get3A_413] {strides = array<i32>} : memref<8224xi32, #tpu.memory_space<vmem>>, vector<16xi32>,
      %eq3A_415 = vector.broadcast %or3A : i32 to vector<16xi32>
      %eq3A_416 = arith.cmpi eq, %get3A_414, %eq3A_415 : vector<16xi32>
      %or3A_417 = arith.ori %or3A_408, %eq3A_416 : vector<16xi1>
      %add3A_418 = arith.constant 16 : i32
      %add3A_419 = arith.addi %add3A_418, %while3A_378 : i32
      %add3A_420 = arith.constant 64 : i32
      %add3A_421 = arith.addi %add3A_419, %add3A_420 : i32
      %get3A_422 = arith.index_cast %add3A_421 : i32 to index
      %get3A_423 = tpu.vector_load %arg6[%get3A_422] {strides = array<i32>} : memref<8224xi32, #tpu.memory_space<vmem>>, vector<16xi32>,
      %eq3A_424 = vector.broadcast %or3A : i32 to vector<16xi32>
      %eq3A_425 = arith.cmpi eq, %get3A_423, %eq3A_424 : vector<16xi32>
      %or3A_426 = arith.ori %or3A_417, %eq3A_425 : vector<16xi1>
      %add3A_427 = arith.constant 16 : i32
      %add3A_428 = arith.addi %add3A_427, %while3A_378 : i32
      %add3A_429 = arith.constant 80 : i32
      %add3A_430 = arith.addi %add3A_428, %add3A_429 : i32
      %get3A_431 = arith.index_cast %add3A_430 : i32 to index
      %get3A_432 = tpu.vector_load %arg6[%get3A_431] {strides = array<i32>} : memref<8224xi32, #tpu.memory_space<vmem>>, vector<16xi32>,
      %eq3A_433 = vector.broadcast %or3A : i32 to vector<16xi32>
      %eq3A_434 = arith.cmpi eq, %get3A_432, %eq3A_433 : vector<16xi32>
      %or3A_435 = arith.ori %or3A_426, %eq3A_434 : vector<16xi1>
      %add3A_436 = arith.constant 16 : i32
      %add3A_437 = arith.addi %add3A_436, %while3A_378 : i32
      %add3A_438 = arith.constant 96 : i32
      %add3A_439 = arith.addi %add3A_437, %add3A_438 : i32
      %get3A_440 = arith.index_cast %add3A_439 : i32 to index
      %get3A_441 = tpu.vector_load %arg6[%get3A_440] {strides = array<i32>} : memref<8224xi32, #tpu.memory_space<vmem>>, vector<16xi32>,
      %eq3A_442 = vector.broadcast %or3A : i32 to vector<16xi32>
      %eq3A_443 = arith.cmpi eq, %get3A_441, %eq3A_442 : vector<16xi32>
      %or3A_444 = arith.ori %or3A_435, %eq3A_443 : vector<16xi1>
      %add3A_445 = arith.constant 16 : i32
      %add3A_446 = arith.addi %add3A_445, %while3A_378 : i32
      %add3A_447 = arith.constant 112 : i32
      %add3A_448 = arith.addi %add3A_446, %add3A_447 : i32
      %get3A_449 = arith.index_cast %add3A_448 : i32 to index
      %get3A_450 = tpu.vector_load %arg6[%get3A_449] {strides = array<i32>} : memref<8224xi32, #tpu.memory_space<vmem>>, vector<16xi32>,
      %eq3A_451 = vector.broadcast %or3A : i32 to vector<16xi32>
      %eq3A_452 = arith.cmpi eq, %get3A_450, %eq3A_451 : vector<16xi32>
      %or3A_453 = arith.ori %or3A_444, %eq3A_452 : vector<16xi1>
      %add3A_454 = arith.constant 16 : i32
      %add3A_455 = arith.addi %add3A_454, %while3A_378 : i32
      %add3A_456 = arith.constant 128 : i32
      %add3A_457 = arith.addi %add3A_455, %add3A_456 : i32
      %get3A_458 = arith.index_cast %add3A_457 : i32 to index
      %get3A_459 = tpu.vector_load %arg6[%get3A_458] {strides = array<i32>} : memref<8224xi32, #tpu.memory_space<vmem>>, vector<16xi32>,
      %eq3A_460 = vector.broadcast %or3A : i32 to vector<16xi32>
      %eq3A_461 = arith.cmpi eq, %get3A_459, %eq3A_460 : vector<16xi32>
      %or3A_462 = arith.ori %or3A_453, %eq3A_461 : vector<16xi1>
      %add3A_463 = arith.constant 16 : i32
      %add3A_464 = arith.addi %add3A_463, %while3A_378 : i32
      %add3A_465 = arith.constant 144 : i32
      %add3A_466 = arith.addi %add3A_464, %add3A_465 : i32
      %get3A_467 = arith.index_cast %add3A_466 : i32 to index
      %get3A_468 = tpu.vector_load %arg6[%get3A_467] {strides = array<i32>} : memref<8224xi32, #tpu.memory_space<vmem>>, vector<16xi32>,
      %eq3A_469 = vector.broadcast %or3A : i32 to vector<16xi32>
      %eq3A_470 = arith.cmpi eq, %get3A_468, %eq3A_469 : vector<16xi32>
      %or3A_471 = arith.ori %or3A_462, %eq3A_470 : vector<16xi1>
      %add3A_472 = arith.constant 16 : i32
      %add3A_473 = arith.addi %add3A_472, %while3A_378 : i32
      %add3A_474 = arith.constant 160 : i32
      %add3A_475 = arith.addi %add3A_473, %add3A_474 : i32
      %get3A_476 = arith.index_cast %add3A_475 : i32 to index
      %get3A_477 = tpu.vector_load %arg6[%get3A_476] {strides = array<i32>} : memref<8224xi32, #tpu.memory_space<vmem>>, vector<16xi32>,
      %eq3A_478 = vector.broadcast %or3A : i32 to vector<16xi32>
      %eq3A_479 = arith.cmpi eq, %get3A_477, %eq3A_478 : vector<16xi32>
      %or3A_480 = arith.ori %or3A_471, %eq3A_479 : vector<16xi1>
      %add3A_481 = arith.constant 16 : i32
      %add3A_482 = arith.addi %add3A_481, %while3A_378 : i32
      %add3A_483 = arith.constant 176 : i32
      %add3A_484 = arith.addi %add3A_482, %add3A_483 : i32
      %get3A_485 = arith.index_cast %add3A_484 : i32 to index
      %get3A_486 = tpu.vector_load %arg6[%get3A_485] {strides = array<i32>} : memref<8224xi32, #tpu.memory_space<vmem>>, vector<16xi32>,
      %eq3A_487 = vector.broadcast %or3A : i32 to vector<16xi32>
      %eq3A_488 = arith.cmpi eq, %get3A_486, %eq3A_487 : vector<16xi32>
      %or3A_489 = arith.ori %or3A_480, %eq3A_488 : vector<16xi1>
      %add3A_490 = arith.constant 16 : i32
      %add3A_491 = arith.addi %add3A_490, %while3A_378 : i32
      %add3A_492 = arith.constant 192 : i32
      %add3A_493 = arith.addi %add3A_491, %add3A_492 : i32
      %get3A_494 = arith.index_cast %add3A_493 : i32 to index
      %get3A_495 = tpu.vector_load %arg6[%get3A_494] {strides = array<i32>} : memref<8224xi32, #tpu.memory_space<vmem>>, vector<16xi32>,
      %eq3A_496 = vector.broadcast %or3A : i32 to vector<16xi32>
      %eq3A_497 = arith.cmpi eq, %get3A_495, %eq3A_496 : vector<16xi32>
      %or3A_498 = arith.ori %or3A_489, %eq3A_497 : vector<16xi1>
      %add3A_499 = arith.constant 16 : i32
      %add3A_500 = arith.addi %add3A_499, %while3A_378 : i32
      %add3A_501 = arith.constant 208 : i32
      %add3A_502 = arith.addi %add3A_500, %add3A_501 : i32
      %get3A_503 = arith.index_cast %add3A_502 : i32 to index
      %get3A_504 = tpu.vector_load %arg6[%get3A_503] {strides = array<i32>} : memref<8224xi32, #tpu.memory_space<vmem>>, vector<16xi32>,
      %eq3A_505 = vector.broadcast %or3A : i32 to vector<16xi32>
      %eq3A_506 = arith.cmpi eq, %get3A_504, %eq3A_505 : vector<16xi32>
      %or3A_507 = arith.ori %or3A_498, %eq3A_506 : vector<16xi1>
      %add3A_508 = arith.constant 16 : i32
      %add3A_509 = arith.addi %add3A_508, %while3A_378 : i32
      %add3A_510 = arith.constant 224 : i32
      %add3A_511 = arith.addi %add3A_509, %add3A_510 : i32
      %get3A_512 = arith.index_cast %add3A_511 : i32 to index
      %get3A_513 = tpu.vector_load %arg6[%get3A_512] {strides = array<i32>} : memref<8224xi32, #tpu.memory_space<vmem>>, vector<16xi32>,
      %eq3A_514 = vector.broadcast %or3A : i32 to vector<16xi32>
      %eq3A_515 = arith.cmpi eq, %get3A_513, %eq3A_514 : vector<16xi32>
      %or3A_516 = arith.ori %or3A_507, %eq3A_515 : vector<16xi1>
      %add3A_517 = arith.constant 16 : i32
      %add3A_518 = arith.addi %add3A_517, %while3A_378 : i32
      %add3A_519 = arith.constant 240 : i32
      %add3A_520 = arith.addi %add3A_518, %add3A_519 : i32
      %get3A_521 = arith.index_cast %add3A_520 : i32 to index
      %get3A_522 = tpu.vector_load %arg6[%get3A_521] {strides = array<i32>} : memref<8224xi32, #tpu.memory_space<vmem>>, vector<16xi32>,
      %eq3A_523 = vector.broadcast %or3A : i32 to vector<16xi32>
      %eq3A_524 = arith.cmpi eq, %get3A_522, %eq3A_523 : vector<16xi32>
      %or3A_525 = arith.ori %or3A_516, %eq3A_524 : vector<16xi1>
      %add3A_526 = arith.constant 16 : i32
      %add3A_527 = arith.addi %add3A_526, %while3A_378 : i32
      %add3A_528 = arith.constant 256 : i32
      %add3A_529 = arith.addi %add3A_527, %add3A_528 : i32
      %get3A_530 = arith.index_cast %add3A_529 : i32 to index
      %get3A_531 = tpu.vector_load %arg6[%get3A_530] {strides = array<i32>} : memref<8224xi32, #tpu.memory_space<vmem>>, vector<16xi32>,
      %eq3A_532 = vector.broadcast %or3A : i32 to vector<16xi32>
      %eq3A_533 = arith.cmpi eq, %get3A_531, %eq3A_532 : vector<16xi32>
      %or3A_534 = arith.ori %or3A_525, %eq3A_533 : vector<16xi1>
      %add3A_535 = arith.constant 16 : i32
      %add3A_536 = arith.addi %add3A_535, %while3A_378 : i32
      %add3A_537 = arith.constant 272 : i32
      %add3A_538 = arith.addi %add3A_536, %add3A_537 : i32
      %get3A_539 = arith.index_cast %add3A_538 : i32 to index
      %get3A_540 = tpu.vector_load %arg6[%get3A_539] {strides = array<i32>} : memref<8224xi32, #tpu.memory_space<vmem>>, vector<16xi32>,
      %eq3A_541 = vector.broadcast %or3A : i32 to vector<16xi32>
      %eq3A_542 = arith.cmpi eq, %get3A_540, %eq3A_541 : vector<16xi32>
      %or3A_543 = arith.ori %or3A_534, %eq3A_542 : vector<16xi1>
      %add3A_544 = arith.constant 16 : i32
      %add3A_545 = arith.addi %add3A_544, %while3A_378 : i32
      %add3A_546 = arith.constant 288 : i32
      %add3A_547 = arith.addi %add3A_545, %add3A_546 : i32
      %get3A_548 = arith.index_cast %add3A_547 : i32 to index
      %get3A_549 = tpu.vector_load %arg6[%get3A_548] {strides = array<i32>} : memref<8224xi32, #tpu.memory_space<vmem>>, vector<16xi32>,
      %eq3A_550 = vector.broadcast %or3A : i32 to vector<16xi32>
      %eq3A_551 = arith.cmpi eq, %get3A_549, %eq3A_550 : vector<16xi32>
      %or3A_552 = arith.ori %or3A_543, %eq3A_551 : vector<16xi1>
      %add3A_553 = arith.constant 16 : i32
      %add3A_554 = arith.addi %add3A_553, %while3A_378 : i32
      %add3A_555 = arith.constant 304 : i32
      %add3A_556 = arith.addi %add3A_554, %add3A_555 : i32
      %get3A_557 = arith.index_cast %add3A_556 : i32 to index
      %get3A_558 = tpu.vector_load %arg6[%get3A_557] {strides = array<i32>} : memref<8224xi32, #tpu.memory_space<vmem>>, vector<16xi32>,
      %eq3A_559 = vector.broadcast %or3A : i32 to vector<16xi32>
      %eq3A_560 = arith.cmpi eq, %get3A_558, %eq3A_559 : vector<16xi32>
      %or3A_561 = arith.ori %or3A_552, %eq3A_560 : vector<16xi1>
      %add3A_562 = arith.constant 16 : i32
      %add3A_563 = arith.addi %add3A_562, %while3A_378 : i32
      %add3A_564 = arith.constant 320 : i32
      %add3A_565 = arith.addi %add3A_563, %add3A_564 : i32
      %get3A_566 = arith.index_cast %add3A_565 : i32 to index
      %get3A_567 = tpu.vector_load %arg6[%get3A_566] {strides = array<i32>} : memref<8224xi32, #tpu.memory_space<vmem>>, vector<16xi32>,
      %eq3A_568 = vector.broadcast %or3A : i32 to vector<16xi32>
      %eq3A_569 = arith.cmpi eq, %get3A_567, %eq3A_568 : vector<16xi32>
      %or3A_570 = arith.ori %or3A_561, %eq3A_569 : vector<16xi1>
      %add3A_571 = arith.constant 16 : i32
      %add3A_572 = arith.addi %add3A_571, %while3A_378 : i32
      %add3A_573 = arith.constant 336 : i32
      %add3A_574 = arith.addi %add3A_572, %add3A_573 : i32
      %get3A_575 = arith.index_cast %add3A_574 : i32 to index
      %get3A_576 = tpu.vector_load %arg6[%get3A_575] {strides = array<i32>} : memref<8224xi32, #tpu.memory_space<vmem>>, vector<16xi32>,
      %eq3A_577 = vector.broadcast %or3A : i32 to vector<16xi32>
      %eq3A_578 = arith.cmpi eq, %get3A_576, %eq3A_577 : vector<16xi32>
      %or3A_579 = arith.ori %or3A_570, %eq3A_578 : vector<16xi1>
      %add3A_580 = arith.constant 16 : i32
      %add3A_581 = arith.addi %add3A_580, %while3A_378 : i32
      %add3A_582 = arith.constant 352 : i32
      %add3A_583 = arith.addi %add3A_581, %add3A_582 : i32
      %get3A_584 = arith.index_cast %add3A_583 : i32 to index
      %get3A_585 = tpu.vector_load %arg6[%get3A_584] {strides = array<i32>} : memref<8224xi32, #tpu.memory_space<vmem>>, vector<16xi32>,
      %eq3A_586 = vector.broadcast %or3A : i32 to vector<16xi32>
      %eq3A_587 = arith.cmpi eq, %get3A_585, %eq3A_586 : vector<16xi32>
      %or3A_588 = arith.ori %or3A_579, %eq3A_587 : vector<16xi1>
      %add3A_589 = arith.constant 16 : i32
      %add3A_590 = arith.addi %add3A_589, %while3A_378 : i32
      %add3A_591 = arith.constant 368 : i32
      %add3A_592 = arith.addi %add3A_590, %add3A_591 : i32
      %get3A_593 = arith.index_cast %add3A_592 : i32 to index
      %get3A_594 = tpu.vector_load %arg6[%get3A_593] {strides = array<i32>} : memref<8224xi32, #tpu.memory_space<vmem>>, vector<16xi32>,
      %eq3A_595 = vector.broadcast %or3A : i32 to vector<16xi32>
      %eq3A_596 = arith.cmpi eq, %get3A_594, %eq3A_595 : vector<16xi32>
      %or3A_597 = arith.ori %or3A_588, %eq3A_596 : vector<16xi1>
      %add3A_598 = arith.constant 16 : i32
      %add3A_599 = arith.addi %add3A_598, %while3A_378 : i32
      %add3A_600 = arith.constant 384 : i32
      %add3A_601 = arith.addi %add3A_599, %add3A_600 : i32
      %get3A_602 = arith.index_cast %add3A_601 : i32 to index
      %get3A_603 = tpu.vector_load %arg6[%get3A_602] {strides = array<i32>} : memref<8224xi32, #tpu.memory_space<vmem>>, vector<16xi32>,
      %eq3A_604 = vector.broadcast %or3A : i32 to vector<16xi32>
      %eq3A_605 = arith.cmpi eq, %get3A_603, %eq3A_604 : vector<16xi32>
      %or3A_606 = arith.ori %or3A_597, %eq3A_605 : vector<16xi1>
      %add3A_607 = arith.constant 16 : i32
      %add3A_608 = arith.addi %add3A_607, %while3A_378 : i32
      %add3A_609 = arith.constant 400 : i32
      %add3A_610 = arith.addi %add3A_608, %add3A_609 : i32
      %get3A_611 = arith.index_cast %add3A_610 : i32 to index
      %get3A_612 = tpu.vector_load %arg6[%get3A_611] {strides = array<i32>} : memref<8224xi32, #tpu.memory_space<vmem>>, vector<16xi32>,
      %eq3A_613 = vector.broadcast %or3A : i32 to vector<16xi32>
      %eq3A_614 = arith.cmpi eq, %get3A_612, %eq3A_613 : vector<16xi32>
      %or3A_615 = arith.ori %or3A_606, %eq3A_614 : vector<16xi1>
      %add3A_616 = arith.constant 16 : i32
      %add3A_617 = arith.addi %add3A_616, %while3A_378 : i32
      %add3A_618 = arith.constant 416 : i32
      %add3A_619 = arith.addi %add3A_617, %add3A_618 : i32
      %get3A_620 = arith.index_cast %add3A_619 : i32 to index
      %get3A_621 = tpu.vector_load %arg6[%get3A_620] {strides = array<i32>} : memref<8224xi32, #tpu.memory_space<vmem>>, vector<16xi32>,
      %eq3A_622 = vector.broadcast %or3A : i32 to vector<16xi32>
      %eq3A_623 = arith.cmpi eq, %get3A_621, %eq3A_622 : vector<16xi32>
      %or3A_624 = arith.ori %or3A_615, %eq3A_623 : vector<16xi1>
      %add3A_625 = arith.constant 16 : i32
      %add3A_626 = arith.addi %add3A_625, %while3A_378 : i32
      %add3A_627 = arith.constant 432 : i32
      %add3A_628 = arith.addi %add3A_626, %add3A_627 : i32
      %get3A_629 = arith.index_cast %add3A_628 : i32 to index
      %get3A_630 = tpu.vector_load %arg6[%get3A_629] {strides = array<i32>} : memref<8224xi32, #tpu.memory_space<vmem>>, vector<16xi32>,
      %eq3A_631 = vector.broadcast %or3A : i32 to vector<16xi32>
      %eq3A_632 = arith.cmpi eq, %get3A_630, %eq3A_631 : vector<16xi32>
      %or3A_633 = arith.ori %or3A_624, %eq3A_632 : vector<16xi1>
      %add3A_634 = arith.constant 16 : i32
      %add3A_635 = arith.addi %add3A_634, %while3A_378 : i32
      %add3A_636 = arith.constant 448 : i32
      %add3A_637 = arith.addi %add3A_635, %add3A_636 : i32
      %get3A_638 = arith.index_cast %add3A_637 : i32 to index
      %get3A_639 = tpu.vector_load %arg6[%get3A_638] {strides = array<i32>} : memref<8224xi32, #tpu.memory_space<vmem>>, vector<16xi32>,
      %eq3A_640 = vector.broadcast %or3A : i32 to vector<16xi32>
      %eq3A_641 = arith.cmpi eq, %get3A_639, %eq3A_640 : vector<16xi32>
      %or3A_642 = arith.ori %or3A_633, %eq3A_641 : vector<16xi1>
      %add3A_643 = arith.constant 16 : i32
      %add3A_644 = arith.addi %add3A_643, %while3A_378 : i32
      %add3A_645 = arith.constant 464 : i32
      %add3A_646 = arith.addi %add3A_644, %add3A_645 : i32
      %get3A_647 = arith.index_cast %add3A_646 : i32 to index
      %get3A_648 = tpu.vector_load %arg6[%get3A_647] {strides = array<i32>} : memref<8224xi32, #tpu.memory_space<vmem>>, vector<16xi32>,
      %eq3A_649 = vector.broadcast %or3A : i32 to vector<16xi32>
      %eq3A_650 = arith.cmpi eq, %get3A_648, %eq3A_649 : vector<16xi32>
      %or3A_651 = arith.ori %or3A_642, %eq3A_650 : vector<16xi1>
      %add3A_652 = arith.constant 16 : i32
      %add3A_653 = arith.addi %add3A_652, %while3A_378 : i32
      %add3A_654 = arith.constant 480 : i32
      %add3A_655 = arith.addi %add3A_653, %add3A_654 : i32
      %get3A_656 = arith.index_cast %add3A_655 : i32 to index
      %get3A_657 = tpu.vector_load %arg6[%get3A_656] {strides = array<i32>} : memref<8224xi32, #tpu.memory_space<vmem>>, vector<16xi32>,
      %eq3A_658 = vector.broadcast %or3A : i32 to vector<16xi32>
      %eq3A_659 = arith.cmpi eq, %get3A_657, %eq3A_658 : vector<16xi32>
      %or3A_660 = arith.ori %or3A_651, %eq3A_659 : vector<16xi1>
      %add3A_661 = arith.constant 16 : i32
      %add3A_662 = arith.addi %add3A_661, %while3A_378 : i32
      %add3A_663 = arith.constant 496 : i32
      %add3A_664 = arith.addi %add3A_662, %add3A_663 : i32
      %get3A_665 = arith.index_cast %add3A_664 : i32 to index
      %get3A_666 = tpu.vector_load %arg6[%get3A_665] {strides = array<i32>} : memref<8224xi32, #tpu.memory_space<vmem>>, vector<16xi32>,
      %eq3A_667 = vector.broadcast %or3A : i32 to vector<16xi32>
      %eq3A_668 = arith.cmpi eq, %get3A_666, %eq3A_667 : vector<16xi32>
      %or3A_669 = arith.ori %or3A_660, %eq3A_668 : vector<16xi1>
      %all_reduce_population_count3A = tpu.all_reduce %or3A_669 {dim = 0 : i64, kind = #tpu.reduction_kind<sum>} : vector<16xi1> -> vector<16xi32>
      %slice3A = vector.extract_strided_slice %all_reduce_population_count3A {offsets = [0], sizes = [1], strides = [1]} : vector<16xi32> to vector<1xi32>
      %squeeze3A = vector.extract %slice3A[0] : i32 from vector<1xi32>
      %gt3A = arith.constant 0 : i32
      %gt3A_670 = arith.cmpi sgt, %squeeze3A, %gt3A : i32
      %convert_element_type3A = arith.extui %gt3A_670 : i1 to i32
      %cond3A = arith.constant 0 : i32
      %cond3A_671 = arith.cmpi ne, %convert_element_type3A, %cond3A : i32
      %cond3A_672:4 = scf.if %cond3A_671 -> (i32, i32, i32, i32) {
        %scan3A = arith.constant 0 : i32
        %scan3A_675 = arith.constant 32 : i32
        %scan3A_676 = arith.addi %scan3A, %scan3A_675 : i32
        %scan3A_677 = arith.constant 1 : i32
        %scan3A_678:4 = scf.for %scan3A_680 = %scan3A to %scan3A_676 step %scan3A_677 iter_args(%scan3A_681 = %while3A_379, %scan3A_682 = %while3A_380, %scan3A_683 = %while3A_381, %scan3A_684 = %while3A_382) -> (i32, i32, i32, i32)  : i32 {
          %add3A_685 = arith.constant 16 : i32
          %add3A_686 = arith.addi %add3A_685, %while3A_378 : i32
          %mul3A_687 = arith.constant 16 : i32
          %mul3A_688 = arith.muli %scan3A_680, %mul3A_687 : i32
          %add3A_689 = arith.addi %add3A_686, %mul3A_688 : i32
          %mul3A_690 = arith.constant 16 : i32
          %mul3A_691 = arith.muli %scan3A_680, %mul3A_690 : i32
          %add3A_692 = arith.addi %while3A_378, %mul3A_691 : i32
          %add3A_693 = vector.broadcast %add3A_692 : i32 to vector<16xi32>
          %add3A_694 = arith.addi %add3A_693, %iota3A : vector<16xi32>
          %get3A_695 = arith.index_cast %add3A_689 : i32 to index
          %get3A_696 = tpu.vector_load %arg6[%get3A_695] {strides = array<i32>} : memref<8224xi32, #tpu.memory_space<vmem>>, vector<16xi32>,
          %sub3A_697 = arith.constant 2 : i32
          %sub3A_698 = arith.subi %add3A_689, %sub3A_697 : i32
          %get3A_699 = arith.index_cast %sub3A_698 : i32 to index
          %get3A_700 = tpu.vector_load %arg6[%get3A_699] {strides = array<i32>} : memref<8224xi32, #tpu.memory_space<vmem>>, vector<16xi32>,
          %sub3A_701 = arith.constant 4 : i32
          %sub3A_702 = arith.subi %add3A_689, %sub3A_701 : i32
          %get3A_703 = arith.index_cast %sub3A_702 : i32 to index
          %get3A_704 = tpu.vector_load %arg6[%get3A_703] {strides = array<i32>} : memref<8224xi32, #tpu.memory_space<vmem>>, vector<16xi32>,
          %eq3A_705 = vector.broadcast %or3A : i32 to vector<16xi32>
          %eq3A_706 = arith.cmpi eq, %get3A_696, %eq3A_705 : vector<16xi32>
          %lt3A_707 = vector.broadcast %sub3A_71 : i32 to vector<16xi32>
          %lt3A_708 = arith.cmpi slt, %add3A_694, %lt3A_707 : vector<16xi32>
          %and3A_709 = arith.andi %eq3A_706, %lt3A_708 : vector<16xi1>
          %and3A_710 = arith.constant 65535 : i32
          %and3A_711 = vector.broadcast %and3A_710 : i32 to vector<16xi32>
          %and3A_712 = arith.andi %get3A_700, %and3A_711 : vector<16xi32>
          %eq3A_713 = vector.broadcast %reduce_max3A_124 : i32 to vector<16xi32>
          %eq3A_714 = arith.cmpi eq, %and3A_712, %eq3A_713 : vector<16xi32>
          %and3A_715 = arith.andi %and3A_709, %eq3A_714 : vector<16xi1>
          %eq3A_716 = vector.broadcast %or3A_156 : i32 to vector<16xi32>
          %eq3A_717 = arith.cmpi eq, %get3A_700, %eq3A_716 : vector<16xi32>
          %and3A_718 = arith.andi %and3A_709, %eq3A_717 : vector<16xi1>
          %and3A_719 = arith.constant 65535 : i32
          %and3A_720 = vector.broadcast %and3A_719 : i32 to vector<16xi32>
          %and3A_721 = arith.andi %get3A_704, %and3A_720 : vector<16xi32>
          %eq3A_722 = vector.broadcast %reduce_max3A_152 : i32 to vector<16xi32>
          %eq3A_723 = arith.cmpi eq, %and3A_721, %eq3A_722 : vector<16xi32>
          %and3A_724 = arith.andi %and3A_718, %eq3A_723 : vector<16xi1>
          %jit3A_725 = arith.constant 1073741824 : i32
          %broadcast_in_dim3A_726 = vector.broadcast %jit3A_725 : i32 to vector<16xi32>
          %select_n3A_727 = arith.select %and3A_709, %add3A_694, %broadcast_in_dim3A_726 : vector<16xi1>, vector<16xi32>
          %reduce_min3A = arith.constant true
          %reduce_min3A_728 = vector.broadcast %reduce_min3A : i1 to vector<16xi1>
          %reduce_min3A_729 = arith.constant -2147483648 : i32
          %reduce_min3A_730 = vector.broadcast %reduce_min3A_729 : i32 to vector<16xi32>
          %reduce_min3A_731 = arith.xori %select_n3A_727, %reduce_min3A_730 : vector<16xi32>
          %reduce_min3A_732 = tpu.scan <min>, %reduce_min3A_731 masked %reduce_min3A_728 : vector<16xi32>, vector<16xi1> -> vector<16xi32>
          %reduce_min3A_733 = arith.xori %reduce_min3A_732, %reduce_min3A_730 : vector<16xi32>
          %reduce_min3A_734 = vector.extract %reduce_min3A_733[15] : i32 from vector<16xi32>
          %min3A = arith.minsi %scan3A_681, %reduce_min3A_734 : i32
          %jit3A_735 = arith.constant 1073741824 : i32
          %broadcast_in_dim3A_736 = vector.broadcast %jit3A_735 : i32 to vector<16xi32>
          %select_n3A_737 = arith.select %and3A_715, %add3A_694, %broadcast_in_dim3A_736 : vector<16xi1>, vector<16xi32>
          %reduce_min3A_738 = arith.constant true
          %reduce_min3A_739 = vector.broadcast %reduce_min3A_738 : i1 to vector<16xi1>
          %reduce_min3A_740 = arith.constant -2147483648 : i32
          %reduce_min3A_741 = vector.broadcast %reduce_min3A_740 : i32 to vector<16xi32>
          %reduce_min3A_742 = arith.xori %select_n3A_737, %reduce_min3A_741 : vector<16xi32>
          %reduce_min3A_743 = tpu.scan <min>, %reduce_min3A_742 masked %reduce_min3A_739 : vector<16xi32>, vector<16xi1> -> vector<16xi32>
          %reduce_min3A_744 = arith.xori %reduce_min3A_743, %reduce_min3A_741 : vector<16xi32>
          %reduce_min3A_745 = vector.extract %reduce_min3A_744[15] : i32 from vector<16xi32>
          %min3A_746 = arith.minsi %scan3A_682, %reduce_min3A_745 : i32
          %jit3A_747 = arith.constant 1073741824 : i32
          %broadcast_in_dim3A_748 = vector.broadcast %jit3A_747 : i32 to vector<16xi32>
          %select_n3A_749 = arith.select %and3A_718, %add3A_694, %broadcast_in_dim3A_748 : vector<16xi1>, vector<16xi32>
          %reduce_min3A_750 = arith.constant true
          %reduce_min3A_751 = vector.broadcast %reduce_min3A_750 : i1 to vector<16xi1>
          %reduce_min3A_752 = arith.constant -2147483648 : i32
          %reduce_min3A_753 = vector.broadcast %reduce_min3A_752 : i32 to vector<16xi32>
          %reduce_min3A_754 = arith.xori %select_n3A_749, %reduce_min3A_753 : vector<16xi32>
          %reduce_min3A_755 = tpu.scan <min>, %reduce_min3A_754 masked %reduce_min3A_751 : vector<16xi32>, vector<16xi1> -> vector<16xi32>
          %reduce_min3A_756 = arith.xori %reduce_min3A_755, %reduce_min3A_753 : vector<16xi32>
          %reduce_min3A_757 = vector.extract %reduce_min3A_756[15] : i32 from vector<16xi32>
          %min3A_758 = arith.minsi %scan3A_683, %reduce_min3A_757 : i32
          %jit3A_759 = arith.constant 1073741824 : i32
          %broadcast_in_dim3A_760 = vector.broadcast %jit3A_759 : i32 to vector<16xi32>
          %select_n3A_761 = arith.select %and3A_724, %add3A_694, %broadcast_in_dim3A_760 : vector<16xi1>, vector<16xi32>
          %reduce_min3A_762 = arith.constant true
          %reduce_min3A_763 = vector.broadcast %reduce_min3A_762 : i1 to vector<16xi1>
          %reduce_min3A_764 = arith.constant -2147483648 : i32
          %reduce_min3A_765 = vector.broadcast %reduce_min3A_764 : i32 to vector<16xi32>
          %reduce_min3A_766 = arith.xori %select_n3A_761, %reduce_min3A_765 : vector<16xi32>
          %reduce_min3A_767 = tpu.scan <min>, %reduce_min3A_766 masked %reduce_min3A_763 : vector<16xi32>, vector<16xi1> -> vector<16xi32>
          %reduce_min3A_768 = arith.xori %reduce_min3A_767, %reduce_min3A_765 : vector<16xi32>
          %reduce_min3A_769 = vector.extract %reduce_min3A_768[15] : i32 from vector<16xi32>
          %min3A_770 = arith.minsi %scan3A_684, %reduce_min3A_769 : i32
          scf.yield %min3A, %min3A_746, %min3A_758, %min3A_770 : i32, i32, i32, i32
        }
        %scan3A_679 = arith.constant 32 : i32
        scf.yield %scan3A_678#0, %scan3A_678#1, %scan3A_678#2, %scan3A_678#3 : i32, i32, i32, i32
      } else {
        scf.yield %while3A_379, %while3A_380, %while3A_381, %while3A_382 : i32, i32, i32, i32
      }
      %add3A_673 = arith.constant 512 : i32
      %add3A_674 = arith.addi %while3A_378, %add3A_673 : i32
      scf.yield %add3A_674, %cond3A_672#0, %cond3A_672#1, %cond3A_672#2, %cond3A_672#3 : i32, i32, i32, i32, i32
    }
    %lt3A = arith.constant 1073741824 : i32
    %lt3A_162 = arith.cmpi slt, %while3A_161#4, %lt3A : i32
    %lt3A_163 = arith.constant 1073741824 : i32
    %lt3A_164 = arith.cmpi slt, %while3A_161#3, %lt3A_163 : i32
    %lt3A_165 = arith.constant 1073741824 : i32
    %lt3A_166 = arith.cmpi slt, %while3A_161#2, %lt3A_165 : i32
    %select_n3A_167 = arith.select %lt3A_166, %while3A_161#2, %while3A_161#1 : i32
    %select_n3A_168 = arith.select %lt3A_164, %while3A_161#3, %select_n3A_167 : i32
    %select_n3A_169 = arith.select %lt3A_162, %while3A_161#4, %select_n3A_168 : i32
    %lt3A_170 = arith.constant 1073741824 : i32
    %lt3A_171 = arith.cmpi slt, %select_n3A_169, %lt3A_170 : i32
    %add3A_172 = arith.constant 1 : i32
    %add3A_173 = arith.addi %select_n3A_169, %add3A_172 : i32
    %jit3A_174 = arith.constant 0 : i32
    %select_n3A_175 = arith.select %lt3A_171, %add3A_173, %jit3A_174 : i32
    %add3A_176 = arith.constant 16 : i32
    %add3A_177 = arith.addi %add3A_176, %select_n3A_175 : i32
    %get3A_178 = arith.index_cast %add3A_177 : i32 to index
    %get3A_179 = tpu.vector_load %arg6[%get3A_178] {strides = array<i32>} : memref<8224xi32, #tpu.memory_space<vmem>>, vector<16xi32>,
    %and3A_180 = arith.constant 65535 : i32
    %and3A_181 = vector.broadcast %and3A_180 : i32 to vector<16xi32>
    %and3A_182 = arith.andi %get3A_179, %and3A_181 : vector<16xi32>
    %lt3A_183 = arith.constant 8 : i32
    %lt3A_184 = vector.broadcast %lt3A_183 : i32 to vector<16xi32>
    %lt3A_185 = arith.cmpi slt, %iota3A, %lt3A_184 : vector<16xi32>
    %and3A_186 = vector.broadcast %lt3A_171 : i1 to vector<16xi1>
    %and3A_187 = arith.andi %and3A_186, %lt3A_185 : vector<16xi1>
    %jit3A_188 = arith.constant 0 : i32
    %broadcast_in_dim3A_189 = vector.broadcast %jit3A_188 : i32 to vector<16xi32>
    %select_n3A_190 = arith.select %and3A_187, %and3A_182, %broadcast_in_dim3A_189 : vector<16xi1>, vector<16xi32>
    %swap3A_191 = arith.constant 0 : index
    %swap3A_192 = tpu.vector_load %arg8[%swap3A_191] {strides = array<i32>} : memref<16xi32, #tpu.memory_space<vmem>>, vector<16xi32>,
    tpu.vector_store %arg8[%swap3A_191], %select_n3A_190 {strides = array<i32>} : memref<16xi32, #tpu.memory_space<vmem>>, vector<16xi32>,
    %mul3A_193 = arith.constant 8 : i32
    %mul3A_194 = arith.muli %add3A_38, %mul3A_193 : i32
    "tpu.region"() ({
      %run_scoped3A = tpu.sem_alloc : memref<!tpu.dma_semaphore, #tpu.memory_space<semaphore_mem>>
      %dma_start3A_378 = arith.constant 0 : i32
      %dma_start3A_379 = tpu.memref_slice %arg8[%dma_start3A_378] : memref<16xi32, #tpu.memory_space<vmem>> -> memref<8xi32, #tpu.memory_space<vmem>>
      %dma_start3A_380 = tpu.memref_slice %arg4[%mul3A_194] : memref<512xi32, #tpu.memory_space<hbm>> -> memref<8xi32, #tpu.memory_space<hbm>>
      %dma_start3A_381 = tpu.memref_slice %arg4[%mul3A_194] : memref<512xi32, #tpu.memory_space<hbm>> -> memref<8xi32, #tpu.memory_space<hbm>>
      %dma_start3A_382 = arith.constant 0 : i32
      %dma_start3A_383 = tpu.memref_slice %arg8[%dma_start3A_382] : memref<16xi32, #tpu.memory_space<vmem>> -> memref<8xi32, #tpu.memory_space<vmem>>
      tpu.enqueue_dma source(%dma_start3A_383 : memref<8xi32, #tpu.memory_space<vmem>>) target(%dma_start3A_381 : memref<8xi32, #tpu.memory_space<hbm>>) target_semaphore(%run_scoped3A : memref<!tpu.dma_semaphore, #tpu.memory_space<semaphore_mem>>)
      %dma_wait3A_384 = arith.constant 0 : i32
      %dma_wait3A_385 = tpu.memref_slice %arg8[%dma_wait3A_384] : memref<16xi32, #tpu.memory_space<vmem>> -> memref<8xi32, #tpu.memory_space<vmem>>
      %dma_wait3A_386 = tpu.memref_slice %arg4[%mul3A_194] : memref<512xi32, #tpu.memory_space<hbm>> -> memref<8xi32, #tpu.memory_space<hbm>>
      %dma_wait3A_387 = tpu.memref_slice %arg4[%mul3A_194] : memref<512xi32, #tpu.memory_space<hbm>> -> memref<8xi32, #tpu.memory_space<hbm>>
      %dma_wait3A_388 = arith.constant 0 : i32
      %dma_wait3A_389 = tpu.memref_slice %arg8[%dma_wait3A_388] : memref<16xi32, #tpu.memory_space<vmem>> -> memref<8xi32, #tpu.memory_space<vmem>>
      tpu.wait_dma2 semaphore(%run_scoped3A : memref<!tpu.dma_semaphore, #tpu.memory_space<semaphore_mem>>) src(%dma_wait3A_389 : memref<8xi32, #tpu.memory_space<vmem>>) dst(%dma_wait3A_387 : memref<8xi32, #tpu.memory_space<hbm>>)
      tpu.yield
    }) : () -> ()
    %dma_wait3A_195 = arith.constant 16 : i32
    %dma_wait3A_196 = tpu.memref_slice %arg7[%dma_wait3A_195] : memref<8224xi32, #tpu.memory_space<vmem>> -> memref<8192xi32, #tpu.memory_space<vmem>>
    %dma_wait3A_197 = tpu.memref_slice %arg3[%mul3A_23] : memref<524288xi32, #tpu.memory_space<hbm>> -> memref<8192xi32, #tpu.memory_space<hbm>>
    %dma_wait3A_198 = arith.constant 16 : i32
    %dma_wait3A_199 = tpu.memref_slice %arg7[%dma_wait3A_198] : memref<8224xi32, #tpu.memory_space<vmem>> -> memref<8192xi32, #tpu.memory_space<vmem>>
    %dma_wait3A_200 = tpu.memref_slice %arg3[%mul3A_23] : memref<524288xi32, #tpu.memory_space<hbm>> -> memref<8192xi32, #tpu.memory_space<hbm>>
    tpu.wait_dma2 semaphore(%arg10 : memref<!tpu.dma_semaphore, #tpu.memory_space<semaphore_mem>>) src(%dma_wait3A_200 : memref<8192xi32, #tpu.memory_space<hbm>>) dst(%dma_wait3A_199 : memref<8192xi32, #tpu.memory_space<vmem>>)
    %mul3A_201 = arith.constant 2 : i32
    %mul3A_202 = arith.muli %add3A, %mul3A_201 : i32
    %add3A_203 = arith.constant 1 : i32
    %add3A_204 = arith.addi %mul3A_202, %add3A_203 : i32
    %jit3A_205 = arith.constant 16 : i32
    %div3A_206 = arith.divsi %add3A_204, %jit3A_205 : i32
    %sign3A_207 = arith.constant 0 : i32
    %sign3A_208 = arith.cmpi sgt, %add3A_204, %sign3A_207 : i32
    %sign3A_209 = arith.extui %sign3A_208 : i1 to i32
    %sign3A_210 = arith.constant 0 : i32
    %sign3A_211 = arith.cmpi slt, %add3A_204, %sign3A_210 : i32
    %sign3A_212 = arith.extui %sign3A_211 : i1 to i32
    %sign3A_213 = arith.subi %sign3A_209, %sign3A_212 : i32
    %sign3A_214 = arith.constant 0 : i32
    %sign3A_215 = arith.cmpi sgt, %jit3A_205, %sign3A_214 : i32
    %sign3A_216 = arith.extui %sign3A_215 : i1 to i32
    %sign3A_217 = arith.constant 0 : i32
    %sign3A_218 = arith.cmpi slt, %jit3A_205, %sign3A_217 : i32
    %sign3A_219 = arith.extui %sign3A_218 : i1 to i32
    %sign3A_220 = arith.subi %sign3A_216, %sign3A_219 : i32
    %ne3A_221 = arith.cmpi ne, %sign3A_213, %sign3A_220 : i32
    %rem3A_222 = arith.remsi %add3A_204, %jit3A_205 : i32
    %ne3A_223 = arith.constant 0 : i32
    %ne3A_224 = arith.cmpi ne, %rem3A_222, %ne3A_223 : i32
    %and3A_225 = arith.andi %ne3A_221, %ne3A_224 : i1
    %sub3A_226 = arith.constant 1 : i32
    %sub3A_227 = arith.subi %div3A_206, %sub3A_226 : i32
    %select_n3A_228 = arith.select %and3A_225, %sub3A_227, %div3A_206 : i32
    %mul3A_229 = arith.constant 16 : i32
    %mul3A_230 = arith.muli %select_n3A_228, %mul3A_229 : i32
    %sub3A_231 = arith.subi %add3A_204, %mul3A_230 : i32
    %eq3A_232 = vector.broadcast %sub3A_231 : i32 to vector<16xi32>
    %eq3A_233 = arith.cmpi eq, %iota3A, %eq3A_232 : vector<16xi32>
    %get3A_234 = arith.index_cast %mul3A_230 : i32 to index
    %get3A_235 = tpu.vector_load %arg5[%get3A_234] {strides = array<i32>} : memref<64xi32, #tpu.memory_space<vmem>>, vector<16xi32>,
    %jit3A_236 = arith.constant 0 : i32
    %broadcast_in_dim3A_237 = vector.broadcast %jit3A_236 : i32 to vector<16xi32>
    %select_n3A_238 = arith.select %eq3A_233, %get3A_235, %broadcast_in_dim3A_237 : vector<16xi1>, vector<16xi32>
    %reduce_max3A_239 = arith.constant true
    %reduce_max3A_240 = vector.broadcast %reduce_max3A_239 : i1 to vector<16xi1>
    %reduce_max3A_241 = arith.constant -2147483648 : i32
    %reduce_max3A_242 = vector.broadcast %reduce_max3A_241 : i32 to vector<16xi32>
    %reduce_max3A_243 = arith.xori %select_n3A_238, %reduce_max3A_242 : vector<16xi32>
    %reduce_max3A_244 = tpu.scan <max>, %reduce_max3A_243 masked %reduce_max3A_240 : vector<16xi32>, vector<16xi1> -> vector<16xi32>
    %reduce_max3A_245 = arith.xori %reduce_max3A_244, %reduce_max3A_242 : vector<16xi32>
    %reduce_max3A_246 = vector.extract %reduce_max3A_245[15] : i32 from vector<16xi32>
    %sub3A_247 = arith.constant 8 : i32
    %sub3A_248 = arith.subi %reduce_max3A_246, %sub3A_247 : i32
    %add3A_249 = arith.constant 16 : i32
    %add3A_250 = arith.addi %add3A_249, %reduce_max3A_246 : i32
    %sub3A_251 = arith.constant 1 : i32
    %sub3A_252 = arith.subi %add3A_250, %sub3A_251 : i32
    %sub3A_253 = vector.broadcast %sub3A_252 : i32 to vector<16xi32>
    %sub3A_254 = arith.subi %sub3A_253, %iota3A : vector<16xi32>
    %max3A_255 = arith.constant 0 : i32
    %max3A_256 = vector.broadcast %max3A_255 : i32 to vector<16xi32>
    %max3A_257 = arith.maxsi %sub3A_254, %max3A_256 : vector<16xi32>
    %gather3A_258 = tpu.vector_load_idx %arg7[%max3A_257] : memref<8224xi32, #tpu.memory_space<vmem>>[vector<16xi32>], vector<16xi32>,
    %and3A_259 = arith.constant 65535 : i32
    %and3A_260 = vector.broadcast %and3A_259 : i32 to vector<16xi32>
    %and3A_261 = arith.andi %gather3A_258, %and3A_260 : vector<16xi32>
    %eq3A_262 = arith.constant 0 : i32
    %eq3A_263 = vector.broadcast %eq3A_262 : i32 to vector<16xi32>
    %eq3A_264 = arith.cmpi eq, %iota3A, %eq3A_263 : vector<16xi32>
    %jit3A_265 = arith.constant 0 : i32
    %broadcast_in_dim3A_266 = vector.broadcast %jit3A_265 : i32 to vector<16xi32>
    %select_n3A_267 = arith.select %eq3A_264, %and3A_261, %broadcast_in_dim3A_266 : vector<16xi1>, vector<16xi32>
    %reduce_max3A_268 = arith.constant true
    %reduce_max3A_269 = vector.broadcast %reduce_max3A_268 : i1 to vector<16xi1>
    %reduce_max3A_270 = arith.constant -2147483648 : i32
    %reduce_max3A_271 = vector.broadcast %reduce_max3A_270 : i32 to vector<16xi32>
    %reduce_max3A_272 = arith.xori %select_n3A_267, %reduce_max3A_271 : vector<16xi32>
    %reduce_max3A_273 = tpu.scan <max>, %reduce_max3A_272 masked %reduce_max3A_269 : vector<16xi32>, vector<16xi1> -> vector<16xi32>
    %reduce_max3A_274 = arith.xori %reduce_max3A_273, %reduce_max3A_271 : vector<16xi32>
    %reduce_max3A_275 = vector.extract %reduce_max3A_274[15] : i32 from vector<16xi32>
    %eq3A_276 = arith.constant 1 : i32
    %eq3A_277 = vector.broadcast %eq3A_276 : i32 to vector<16xi32>
    %eq3A_278 = arith.cmpi eq, %iota3A, %eq3A_277 : vector<16xi32>
    %jit3A_279 = arith.constant 0 : i32
    %broadcast_in_dim3A_280 = vector.broadcast %jit3A_279 : i32 to vector<16xi32>
    %select_n3A_281 = arith.select %eq3A_278, %and3A_261, %broadcast_in_dim3A_280 : vector<16xi1>, vector<16xi32>
    %reduce_max3A_282 = arith.constant true
    %reduce_max3A_283 = vector.broadcast %reduce_max3A_282 : i1 to vector<16xi1>
    %reduce_max3A_284 = arith.constant -2147483648 : i32
    %reduce_max3A_285 = vector.broadcast %reduce_max3A_284 : i32 to vector<16xi32>
    %reduce_max3A_286 = arith.xori %select_n3A_281, %reduce_max3A_285 : vector<16xi32>
    %reduce_max3A_287 = tpu.scan <max>, %reduce_max3A_286 masked %reduce_max3A_283 : vector<16xi32>, vector<16xi1> -> vector<16xi32>
    %reduce_max3A_288 = arith.xori %reduce_max3A_287, %reduce_max3A_285 : vector<16xi32>
    %reduce_max3A_289 = vector.extract %reduce_max3A_288[15] : i32 from vector<16xi32>
    %eq3A_290 = arith.constant 2 : i32
    %eq3A_291 = vector.broadcast %eq3A_290 : i32 to vector<16xi32>
    %eq3A_292 = arith.cmpi eq, %iota3A, %eq3A_291 : vector<16xi32>
    %jit3A_293 = arith.constant 0 : i32
    %broadcast_in_dim3A_294 = vector.broadcast %jit3A_293 : i32 to vector<16xi32>
    %select_n3A_295 = arith.select %eq3A_292, %and3A_261, %broadcast_in_dim3A_294 : vector<16xi1>, vector<16xi32>
    %reduce_max3A_296 = arith.constant true
    %reduce_max3A_297 = vector.broadcast %reduce_max3A_296 : i1 to vector<16xi1>
    %reduce_max3A_298 = arith.constant -2147483648 : i32
    %reduce_max3A_299 = vector.broadcast %reduce_max3A_298 : i32 to vector<16xi32>
    %reduce_max3A_300 = arith.xori %select_n3A_295, %reduce_max3A_299 : vector<16xi32>
    %reduce_max3A_301 = tpu.scan <max>, %reduce_max3A_300 masked %reduce_max3A_297 : vector<16xi32>, vector<16xi1> -> vector<16xi32>
    %reduce_max3A_302 = arith.xori %reduce_max3A_301, %reduce_max3A_299 : vector<16xi32>
    %reduce_max3A_303 = vector.extract %reduce_max3A_302[15] : i32 from vector<16xi32>
    %eq3A_304 = arith.constant 3 : i32
    %eq3A_305 = vector.broadcast %eq3A_304 : i32 to vector<16xi32>
    %eq3A_306 = arith.cmpi eq, %iota3A, %eq3A_305 : vector<16xi32>
    %jit3A_307 = arith.constant 0 : i32
    %broadcast_in_dim3A_308 = vector.broadcast %jit3A_307 : i32 to vector<16xi32>
    %select_n3A_309 = arith.select %eq3A_306, %and3A_261, %broadcast_in_dim3A_308 : vector<16xi1>, vector<16xi32>
    %reduce_max3A_310 = arith.constant true
    %reduce_max3A_311 = vector.broadcast %reduce_max3A_310 : i1 to vector<16xi1>
    %reduce_max3A_312 = arith.constant -2147483648 : i32
    %reduce_max3A_313 = vector.broadcast %reduce_max3A_312 : i32 to vector<16xi32>
    %reduce_max3A_314 = arith.xori %select_n3A_309, %reduce_max3A_313 : vector<16xi32>
    %reduce_max3A_315 = tpu.scan <max>, %reduce_max3A_314 masked %reduce_max3A_311 : vector<16xi32>, vector<16xi1> -> vector<16xi32>
    %reduce_max3A_316 = arith.xori %reduce_max3A_315, %reduce_max3A_313 : vector<16xi32>
    %reduce_max3A_317 = vector.extract %reduce_max3A_316[15] : i32 from vector<16xi32>
    %eq3A_318 = arith.constant 4 : i32
    %eq3A_319 = vector.broadcast %eq3A_318 : i32 to vector<16xi32>
    %eq3A_320 = arith.cmpi eq, %iota3A, %eq3A_319 : vector<16xi32>
    %jit3A_321 = arith.constant 0 : i32
    %broadcast_in_dim3A_322 = vector.broadcast %jit3A_321 : i32 to vector<16xi32>
    %select_n3A_323 = arith.select %eq3A_320, %and3A_261, %broadcast_in_dim3A_322 : vector<16xi1>, vector<16xi32>
    %reduce_max3A_324 = arith.constant true
    %reduce_max3A_325 = vector.broadcast %reduce_max3A_324 : i1 to vector<16xi1>
    %reduce_max3A_326 = arith.constant -2147483648 : i32
    %reduce_max3A_327 = vector.broadcast %reduce_max3A_326 : i32 to vector<16xi32>
    %reduce_max3A_328 = arith.xori %select_n3A_323, %reduce_max3A_327 : vector<16xi32>
    %reduce_max3A_329 = tpu.scan <max>, %reduce_max3A_328 masked %reduce_max3A_325 : vector<16xi32>, vector<16xi1> -> vector<16xi32>
    %reduce_max3A_330 = arith.xori %reduce_max3A_329, %reduce_max3A_327 : vector<16xi32>
    %reduce_max3A_331 = vector.extract %reduce_max3A_330[15] : i32 from vector<16xi32>
    %shift_left3A_332 = arith.constant 16 : i32
    %shift_left3A_333 = arith.shli %reduce_max3A_289, %shift_left3A_332 : i32
    %or3A_334 = arith.ori %reduce_max3A_275, %shift_left3A_333 : i32
    %shift_left3A_335 = arith.constant 16 : i32
    %shift_left3A_336 = arith.shli %reduce_max3A_317, %shift_left3A_335 : i32
    %or3A_337 = arith.ori %reduce_max3A_303, %shift_left3A_336 : i32
    %while3A_338 = arith.constant 0 : i32
    %while3A_339 = arith.constant 1073741824 : i32
    %while3A_340 = arith.constant 1073741824 : i32
    %while3A_341 = arith.constant 1073741824 : i32
    %while3A_342 = arith.constant 1073741824 : i32
    %while3A_343:5 = scf.while (%while3A_378 = %while3A_338, %while3A_379 = %while3A_339, %while3A_380 = %while3A_340, %while3A_381 = %while3A_341, %while3A_382 = %while3A_342) : (i32, i32, i32, i32, i32) -> (i32, i32, i32, i32, i32) {
      %lt3A_383 = arith.cmpi slt, %while3A_378, %sub3A_248 : i32
      %ge3A = arith.constant 1073741824 : i32
      %ge3A_384 = arith.cmpi sge, %while3A_382, %ge3A : i32
      %and3A_385 = arith.andi %lt3A_383, %ge3A_384 : i1
      scf.condition(%and3A_385) %while3A_378, %while3A_379, %while3A_380, %while3A_381, %while3A_382 : i32, i32, i32, i32, i32
    } do {
    ^bb0(%while3A_378: i32, %while3A_379: i32, %while3A_380: i32, %while3A_381: i32, %while3A_382: i32):
      %add3A_383 = arith.constant 16 : i32
      %add3A_384 = arith.addi %add3A_383, %while3A_378 : i32
      %add3A_385 = arith.constant 0 : i32
      %add3A_386 = arith.addi %add3A_384, %add3A_385 : i32
      %get3A_387 = arith.index_cast %add3A_386 : i32 to index
      %get3A_388 = tpu.vector_load %arg7[%get3A_387] {strides = array<i32>} : memref<8224xi32, #tpu.memory_space<vmem>>, vector<16xi32>,
      %eq3A_389 = vector.broadcast %or3A_334 : i32 to vector<16xi32>
      %eq3A_390 = arith.cmpi eq, %get3A_388, %eq3A_389 : vector<16xi32>
      %add3A_391 = arith.constant 16 : i32
      %add3A_392 = arith.addi %add3A_391, %while3A_378 : i32
      %add3A_393 = arith.constant 16 : i32
      %add3A_394 = arith.addi %add3A_392, %add3A_393 : i32
      %get3A_395 = arith.index_cast %add3A_394 : i32 to index
      %get3A_396 = tpu.vector_load %arg7[%get3A_395] {strides = array<i32>} : memref<8224xi32, #tpu.memory_space<vmem>>, vector<16xi32>,
      %eq3A_397 = vector.broadcast %or3A_334 : i32 to vector<16xi32>
      %eq3A_398 = arith.cmpi eq, %get3A_396, %eq3A_397 : vector<16xi32>
      %or3A_399 = arith.ori %eq3A_390, %eq3A_398 : vector<16xi1>
      %add3A_400 = arith.constant 16 : i32
      %add3A_401 = arith.addi %add3A_400, %while3A_378 : i32
      %add3A_402 = arith.constant 32 : i32
      %add3A_403 = arith.addi %add3A_401, %add3A_402 : i32
      %get3A_404 = arith.index_cast %add3A_403 : i32 to index
      %get3A_405 = tpu.vector_load %arg7[%get3A_404] {strides = array<i32>} : memref<8224xi32, #tpu.memory_space<vmem>>, vector<16xi32>,
      %eq3A_406 = vector.broadcast %or3A_334 : i32 to vector<16xi32>
      %eq3A_407 = arith.cmpi eq, %get3A_405, %eq3A_406 : vector<16xi32>
      %or3A_408 = arith.ori %or3A_399, %eq3A_407 : vector<16xi1>
      %add3A_409 = arith.constant 16 : i32
      %add3A_410 = arith.addi %add3A_409, %while3A_378 : i32
      %add3A_411 = arith.constant 48 : i32
      %add3A_412 = arith.addi %add3A_410, %add3A_411 : i32
      %get3A_413 = arith.index_cast %add3A_412 : i32 to index
      %get3A_414 = tpu.vector_load %arg7[%get3A_413] {strides = array<i32>} : memref<8224xi32, #tpu.memory_space<vmem>>, vector<16xi32>,
      %eq3A_415 = vector.broadcast %or3A_334 : i32 to vector<16xi32>
      %eq3A_416 = arith.cmpi eq, %get3A_414, %eq3A_415 : vector<16xi32>
      %or3A_417 = arith.ori %or3A_408, %eq3A_416 : vector<16xi1>
      %add3A_418 = arith.constant 16 : i32
      %add3A_419 = arith.addi %add3A_418, %while3A_378 : i32
      %add3A_420 = arith.constant 64 : i32
      %add3A_421 = arith.addi %add3A_419, %add3A_420 : i32
      %get3A_422 = arith.index_cast %add3A_421 : i32 to index
      %get3A_423 = tpu.vector_load %arg7[%get3A_422] {strides = array<i32>} : memref<8224xi32, #tpu.memory_space<vmem>>, vector<16xi32>,
      %eq3A_424 = vector.broadcast %or3A_334 : i32 to vector<16xi32>
      %eq3A_425 = arith.cmpi eq, %get3A_423, %eq3A_424 : vector<16xi32>
      %or3A_426 = arith.ori %or3A_417, %eq3A_425 : vector<16xi1>
      %add3A_427 = arith.constant 16 : i32
      %add3A_428 = arith.addi %add3A_427, %while3A_378 : i32
      %add3A_429 = arith.constant 80 : i32
      %add3A_430 = arith.addi %add3A_428, %add3A_429 : i32
      %get3A_431 = arith.index_cast %add3A_430 : i32 to index
      %get3A_432 = tpu.vector_load %arg7[%get3A_431] {strides = array<i32>} : memref<8224xi32, #tpu.memory_space<vmem>>, vector<16xi32>,
      %eq3A_433 = vector.broadcast %or3A_334 : i32 to vector<16xi32>
      %eq3A_434 = arith.cmpi eq, %get3A_432, %eq3A_433 : vector<16xi32>
      %or3A_435 = arith.ori %or3A_426, %eq3A_434 : vector<16xi1>
      %add3A_436 = arith.constant 16 : i32
      %add3A_437 = arith.addi %add3A_436, %while3A_378 : i32
      %add3A_438 = arith.constant 96 : i32
      %add3A_439 = arith.addi %add3A_437, %add3A_438 : i32
      %get3A_440 = arith.index_cast %add3A_439 : i32 to index
      %get3A_441 = tpu.vector_load %arg7[%get3A_440] {strides = array<i32>} : memref<8224xi32, #tpu.memory_space<vmem>>, vector<16xi32>,
      %eq3A_442 = vector.broadcast %or3A_334 : i32 to vector<16xi32>
      %eq3A_443 = arith.cmpi eq, %get3A_441, %eq3A_442 : vector<16xi32>
      %or3A_444 = arith.ori %or3A_435, %eq3A_443 : vector<16xi1>
      %add3A_445 = arith.constant 16 : i32
      %add3A_446 = arith.addi %add3A_445, %while3A_378 : i32
      %add3A_447 = arith.constant 112 : i32
      %add3A_448 = arith.addi %add3A_446, %add3A_447 : i32
      %get3A_449 = arith.index_cast %add3A_448 : i32 to index
      %get3A_450 = tpu.vector_load %arg7[%get3A_449] {strides = array<i32>} : memref<8224xi32, #tpu.memory_space<vmem>>, vector<16xi32>,
      %eq3A_451 = vector.broadcast %or3A_334 : i32 to vector<16xi32>
      %eq3A_452 = arith.cmpi eq, %get3A_450, %eq3A_451 : vector<16xi32>
      %or3A_453 = arith.ori %or3A_444, %eq3A_452 : vector<16xi1>
      %add3A_454 = arith.constant 16 : i32
      %add3A_455 = arith.addi %add3A_454, %while3A_378 : i32
      %add3A_456 = arith.constant 128 : i32
      %add3A_457 = arith.addi %add3A_455, %add3A_456 : i32
      %get3A_458 = arith.index_cast %add3A_457 : i32 to index
      %get3A_459 = tpu.vector_load %arg7[%get3A_458] {strides = array<i32>} : memref<8224xi32, #tpu.memory_space<vmem>>, vector<16xi32>,
      %eq3A_460 = vector.broadcast %or3A_334 : i32 to vector<16xi32>
      %eq3A_461 = arith.cmpi eq, %get3A_459, %eq3A_460 : vector<16xi32>
      %or3A_462 = arith.ori %or3A_453, %eq3A_461 : vector<16xi1>
      %add3A_463 = arith.constant 16 : i32
      %add3A_464 = arith.addi %add3A_463, %while3A_378 : i32
      %add3A_465 = arith.constant 144 : i32
      %add3A_466 = arith.addi %add3A_464, %add3A_465 : i32
      %get3A_467 = arith.index_cast %add3A_466 : i32 to index
      %get3A_468 = tpu.vector_load %arg7[%get3A_467] {strides = array<i32>} : memref<8224xi32, #tpu.memory_space<vmem>>, vector<16xi32>,
      %eq3A_469 = vector.broadcast %or3A_334 : i32 to vector<16xi32>
      %eq3A_470 = arith.cmpi eq, %get3A_468, %eq3A_469 : vector<16xi32>
      %or3A_471 = arith.ori %or3A_462, %eq3A_470 : vector<16xi1>
      %add3A_472 = arith.constant 16 : i32
      %add3A_473 = arith.addi %add3A_472, %while3A_378 : i32
      %add3A_474 = arith.constant 160 : i32
      %add3A_475 = arith.addi %add3A_473, %add3A_474 : i32
      %get3A_476 = arith.index_cast %add3A_475 : i32 to index
      %get3A_477 = tpu.vector_load %arg7[%get3A_476] {strides = array<i32>} : memref<8224xi32, #tpu.memory_space<vmem>>, vector<16xi32>,
      %eq3A_478 = vector.broadcast %or3A_334 : i32 to vector<16xi32>
      %eq3A_479 = arith.cmpi eq, %get3A_477, %eq3A_478 : vector<16xi32>
      %or3A_480 = arith.ori %or3A_471, %eq3A_479 : vector<16xi1>
      %add3A_481 = arith.constant 16 : i32
      %add3A_482 = arith.addi %add3A_481, %while3A_378 : i32
      %add3A_483 = arith.constant 176 : i32
      %add3A_484 = arith.addi %add3A_482, %add3A_483 : i32
      %get3A_485 = arith.index_cast %add3A_484 : i32 to index
      %get3A_486 = tpu.vector_load %arg7[%get3A_485] {strides = array<i32>} : memref<8224xi32, #tpu.memory_space<vmem>>, vector<16xi32>,
      %eq3A_487 = vector.broadcast %or3A_334 : i32 to vector<16xi32>
      %eq3A_488 = arith.cmpi eq, %get3A_486, %eq3A_487 : vector<16xi32>
      %or3A_489 = arith.ori %or3A_480, %eq3A_488 : vector<16xi1>
      %add3A_490 = arith.constant 16 : i32
      %add3A_491 = arith.addi %add3A_490, %while3A_378 : i32
      %add3A_492 = arith.constant 192 : i32
      %add3A_493 = arith.addi %add3A_491, %add3A_492 : i32
      %get3A_494 = arith.index_cast %add3A_493 : i32 to index
      %get3A_495 = tpu.vector_load %arg7[%get3A_494] {strides = array<i32>} : memref<8224xi32, #tpu.memory_space<vmem>>, vector<16xi32>,
      %eq3A_496 = vector.broadcast %or3A_334 : i32 to vector<16xi32>
      %eq3A_497 = arith.cmpi eq, %get3A_495, %eq3A_496 : vector<16xi32>
      %or3A_498 = arith.ori %or3A_489, %eq3A_497 : vector<16xi1>
      %add3A_499 = arith.constant 16 : i32
      %add3A_500 = arith.addi %add3A_499, %while3A_378 : i32
      %add3A_501 = arith.constant 208 : i32
      %add3A_502 = arith.addi %add3A_500, %add3A_501 : i32
      %get3A_503 = arith.index_cast %add3A_502 : i32 to index
      %get3A_504 = tpu.vector_load %arg7[%get3A_503] {strides = array<i32>} : memref<8224xi32, #tpu.memory_space<vmem>>, vector<16xi32>,
      %eq3A_505 = vector.broadcast %or3A_334 : i32 to vector<16xi32>
      %eq3A_506 = arith.cmpi eq, %get3A_504, %eq3A_505 : vector<16xi32>
      %or3A_507 = arith.ori %or3A_498, %eq3A_506 : vector<16xi1>
      %add3A_508 = arith.constant 16 : i32
      %add3A_509 = arith.addi %add3A_508, %while3A_378 : i32
      %add3A_510 = arith.constant 224 : i32
      %add3A_511 = arith.addi %add3A_509, %add3A_510 : i32
      %get3A_512 = arith.index_cast %add3A_511 : i32 to index
      %get3A_513 = tpu.vector_load %arg7[%get3A_512] {strides = array<i32>} : memref<8224xi32, #tpu.memory_space<vmem>>, vector<16xi32>,
      %eq3A_514 = vector.broadcast %or3A_334 : i32 to vector<16xi32>
      %eq3A_515 = arith.cmpi eq, %get3A_513, %eq3A_514 : vector<16xi32>
      %or3A_516 = arith.ori %or3A_507, %eq3A_515 : vector<16xi1>
      %add3A_517 = arith.constant 16 : i32
      %add3A_518 = arith.addi %add3A_517, %while3A_378 : i32
      %add3A_519 = arith.constant 240 : i32
      %add3A_520 = arith.addi %add3A_518, %add3A_519 : i32
      %get3A_521 = arith.index_cast %add3A_520 : i32 to index
      %get3A_522 = tpu.vector_load %arg7[%get3A_521] {strides = array<i32>} : memref<8224xi32, #tpu.memory_space<vmem>>, vector<16xi32>,
      %eq3A_523 = vector.broadcast %or3A_334 : i32 to vector<16xi32>
      %eq3A_524 = arith.cmpi eq, %get3A_522, %eq3A_523 : vector<16xi32>
      %or3A_525 = arith.ori %or3A_516, %eq3A_524 : vector<16xi1>
      %add3A_526 = arith.constant 16 : i32
      %add3A_527 = arith.addi %add3A_526, %while3A_378 : i32
      %add3A_528 = arith.constant 256 : i32
      %add3A_529 = arith.addi %add3A_527, %add3A_528 : i32
      %get3A_530 = arith.index_cast %add3A_529 : i32 to index
      %get3A_531 = tpu.vector_load %arg7[%get3A_530] {strides = array<i32>} : memref<8224xi32, #tpu.memory_space<vmem>>, vector<16xi32>,
      %eq3A_532 = vector.broadcast %or3A_334 : i32 to vector<16xi32>
      %eq3A_533 = arith.cmpi eq, %get3A_531, %eq3A_532 : vector<16xi32>
      %or3A_534 = arith.ori %or3A_525, %eq3A_533 : vector<16xi1>
      %add3A_535 = arith.constant 16 : i32
      %add3A_536 = arith.addi %add3A_535, %while3A_378 : i32
      %add3A_537 = arith.constant 272 : i32
      %add3A_538 = arith.addi %add3A_536, %add3A_537 : i32
      %get3A_539 = arith.index_cast %add3A_538 : i32 to index
      %get3A_540 = tpu.vector_load %arg7[%get3A_539] {strides = array<i32>} : memref<8224xi32, #tpu.memory_space<vmem>>, vector<16xi32>,
      %eq3A_541 = vector.broadcast %or3A_334 : i32 to vector<16xi32>
      %eq3A_542 = arith.cmpi eq, %get3A_540, %eq3A_541 : vector<16xi32>
      %or3A_543 = arith.ori %or3A_534, %eq3A_542 : vector<16xi1>
      %add3A_544 = arith.constant 16 : i32
      %add3A_545 = arith.addi %add3A_544, %while3A_378 : i32
      %add3A_546 = arith.constant 288 : i32
      %add3A_547 = arith.addi %add3A_545, %add3A_546 : i32
      %get3A_548 = arith.index_cast %add3A_547 : i32 to index
      %get3A_549 = tpu.vector_load %arg7[%get3A_548] {strides = array<i32>} : memref<8224xi32, #tpu.memory_space<vmem>>, vector<16xi32>,
      %eq3A_550 = vector.broadcast %or3A_334 : i32 to vector<16xi32>
      %eq3A_551 = arith.cmpi eq, %get3A_549, %eq3A_550 : vector<16xi32>
      %or3A_552 = arith.ori %or3A_543, %eq3A_551 : vector<16xi1>
      %add3A_553 = arith.constant 16 : i32
      %add3A_554 = arith.addi %add3A_553, %while3A_378 : i32
      %add3A_555 = arith.constant 304 : i32
      %add3A_556 = arith.addi %add3A_554, %add3A_555 : i32
      %get3A_557 = arith.index_cast %add3A_556 : i32 to index
      %get3A_558 = tpu.vector_load %arg7[%get3A_557] {strides = array<i32>} : memref<8224xi32, #tpu.memory_space<vmem>>, vector<16xi32>,
      %eq3A_559 = vector.broadcast %or3A_334 : i32 to vector<16xi32>
      %eq3A_560 = arith.cmpi eq, %get3A_558, %eq3A_559 : vector<16xi32>
      %or3A_561 = arith.ori %or3A_552, %eq3A_560 : vector<16xi1>
      %add3A_562 = arith.constant 16 : i32
      %add3A_563 = arith.addi %add3A_562, %while3A_378 : i32
      %add3A_564 = arith.constant 320 : i32
      %add3A_565 = arith.addi %add3A_563, %add3A_564 : i32
      %get3A_566 = arith.index_cast %add3A_565 : i32 to index
      %get3A_567 = tpu.vector_load %arg7[%get3A_566] {strides = array<i32>} : memref<8224xi32, #tpu.memory_space<vmem>>, vector<16xi32>,
      %eq3A_568 = vector.broadcast %or3A_334 : i32 to vector<16xi32>
      %eq3A_569 = arith.cmpi eq, %get3A_567, %eq3A_568 : vector<16xi32>
      %or3A_570 = arith.ori %or3A_561, %eq3A_569 : vector<16xi1>
      %add3A_571 = arith.constant 16 : i32
      %add3A_572 = arith.addi %add3A_571, %while3A_378 : i32
      %add3A_573 = arith.constant 336 : i32
      %add3A_574 = arith.addi %add3A_572, %add3A_573 : i32
      %get3A_575 = arith.index_cast %add3A_574 : i32 to index
      %get3A_576 = tpu.vector_load %arg7[%get3A_575] {strides = array<i32>} : memref<8224xi32, #tpu.memory_space<vmem>>, vector<16xi32>,
      %eq3A_577 = vector.broadcast %or3A_334 : i32 to vector<16xi32>
      %eq3A_578 = arith.cmpi eq, %get3A_576, %eq3A_577 : vector<16xi32>
      %or3A_579 = arith.ori %or3A_570, %eq3A_578 : vector<16xi1>
      %add3A_580 = arith.constant 16 : i32
      %add3A_581 = arith.addi %add3A_580, %while3A_378 : i32
      %add3A_582 = arith.constant 352 : i32
      %add3A_583 = arith.addi %add3A_581, %add3A_582 : i32
      %get3A_584 = arith.index_cast %add3A_583 : i32 to index
      %get3A_585 = tpu.vector_load %arg7[%get3A_584] {strides = array<i32>} : memref<8224xi32, #tpu.memory_space<vmem>>, vector<16xi32>,
      %eq3A_586 = vector.broadcast %or3A_334 : i32 to vector<16xi32>
      %eq3A_587 = arith.cmpi eq, %get3A_585, %eq3A_586 : vector<16xi32>
      %or3A_588 = arith.ori %or3A_579, %eq3A_587 : vector<16xi1>
      %add3A_589 = arith.constant 16 : i32
      %add3A_590 = arith.addi %add3A_589, %while3A_378 : i32
      %add3A_591 = arith.constant 368 : i32
      %add3A_592 = arith.addi %add3A_590, %add3A_591 : i32
      %get3A_593 = arith.index_cast %add3A_592 : i32 to index
      %get3A_594 = tpu.vector_load %arg7[%get3A_593] {strides = array<i32>} : memref<8224xi32, #tpu.memory_space<vmem>>, vector<16xi32>,
      %eq3A_595 = vector.broadcast %or3A_334 : i32 to vector<16xi32>
      %eq3A_596 = arith.cmpi eq, %get3A_594, %eq3A_595 : vector<16xi32>
      %or3A_597 = arith.ori %or3A_588, %eq3A_596 : vector<16xi1>
      %add3A_598 = arith.constant 16 : i32
      %add3A_599 = arith.addi %add3A_598, %while3A_378 : i32
      %add3A_600 = arith.constant 384 : i32
      %add3A_601 = arith.addi %add3A_599, %add3A_600 : i32
      %get3A_602 = arith.index_cast %add3A_601 : i32 to index
      %get3A_603 = tpu.vector_load %arg7[%get3A_602] {strides = array<i32>} : memref<8224xi32, #tpu.memory_space<vmem>>, vector<16xi32>,
      %eq3A_604 = vector.broadcast %or3A_334 : i32 to vector<16xi32>
      %eq3A_605 = arith.cmpi eq, %get3A_603, %eq3A_604 : vector<16xi32>
      %or3A_606 = arith.ori %or3A_597, %eq3A_605 : vector<16xi1>
      %add3A_607 = arith.constant 16 : i32
      %add3A_608 = arith.addi %add3A_607, %while3A_378 : i32
      %add3A_609 = arith.constant 400 : i32
      %add3A_610 = arith.addi %add3A_608, %add3A_609 : i32
      %get3A_611 = arith.index_cast %add3A_610 : i32 to index
      %get3A_612 = tpu.vector_load %arg7[%get3A_611] {strides = array<i32>} : memref<8224xi32, #tpu.memory_space<vmem>>, vector<16xi32>,
      %eq3A_613 = vector.broadcast %or3A_334 : i32 to vector<16xi32>
      %eq3A_614 = arith.cmpi eq, %get3A_612, %eq3A_613 : vector<16xi32>
      %or3A_615 = arith.ori %or3A_606, %eq3A_614 : vector<16xi1>
      %add3A_616 = arith.constant 16 : i32
      %add3A_617 = arith.addi %add3A_616, %while3A_378 : i32
      %add3A_618 = arith.constant 416 : i32
      %add3A_619 = arith.addi %add3A_617, %add3A_618 : i32
      %get3A_620 = arith.index_cast %add3A_619 : i32 to index
      %get3A_621 = tpu.vector_load %arg7[%get3A_620] {strides = array<i32>} : memref<8224xi32, #tpu.memory_space<vmem>>, vector<16xi32>,
      %eq3A_622 = vector.broadcast %or3A_334 : i32 to vector<16xi32>
      %eq3A_623 = arith.cmpi eq, %get3A_621, %eq3A_622 : vector<16xi32>
      %or3A_624 = arith.ori %or3A_615, %eq3A_623 : vector<16xi1>
      %add3A_625 = arith.constant 16 : i32
      %add3A_626 = arith.addi %add3A_625, %while3A_378 : i32
      %add3A_627 = arith.constant 432 : i32
      %add3A_628 = arith.addi %add3A_626, %add3A_627 : i32
      %get3A_629 = arith.index_cast %add3A_628 : i32 to index
      %get3A_630 = tpu.vector_load %arg7[%get3A_629] {strides = array<i32>} : memref<8224xi32, #tpu.memory_space<vmem>>, vector<16xi32>,
      %eq3A_631 = vector.broadcast %or3A_334 : i32 to vector<16xi32>
      %eq3A_632 = arith.cmpi eq, %get3A_630, %eq3A_631 : vector<16xi32>
      %or3A_633 = arith.ori %or3A_624, %eq3A_632 : vector<16xi1>
      %add3A_634 = arith.constant 16 : i32
      %add3A_635 = arith.addi %add3A_634, %while3A_378 : i32
      %add3A_636 = arith.constant 448 : i32
      %add3A_637 = arith.addi %add3A_635, %add3A_636 : i32
      %get3A_638 = arith.index_cast %add3A_637 : i32 to index
      %get3A_639 = tpu.vector_load %arg7[%get3A_638] {strides = array<i32>} : memref<8224xi32, #tpu.memory_space<vmem>>, vector<16xi32>,
      %eq3A_640 = vector.broadcast %or3A_334 : i32 to vector<16xi32>
      %eq3A_641 = arith.cmpi eq, %get3A_639, %eq3A_640 : vector<16xi32>
      %or3A_642 = arith.ori %or3A_633, %eq3A_641 : vector<16xi1>
      %add3A_643 = arith.constant 16 : i32
      %add3A_644 = arith.addi %add3A_643, %while3A_378 : i32
      %add3A_645 = arith.constant 464 : i32
      %add3A_646 = arith.addi %add3A_644, %add3A_645 : i32
      %get3A_647 = arith.index_cast %add3A_646 : i32 to index
      %get3A_648 = tpu.vector_load %arg7[%get3A_647] {strides = array<i32>} : memref<8224xi32, #tpu.memory_space<vmem>>, vector<16xi32>,
      %eq3A_649 = vector.broadcast %or3A_334 : i32 to vector<16xi32>
      %eq3A_650 = arith.cmpi eq, %get3A_648, %eq3A_649 : vector<16xi32>
      %or3A_651 = arith.ori %or3A_642, %eq3A_650 : vector<16xi1>
      %add3A_652 = arith.constant 16 : i32
      %add3A_653 = arith.addi %add3A_652, %while3A_378 : i32
      %add3A_654 = arith.constant 480 : i32
      %add3A_655 = arith.addi %add3A_653, %add3A_654 : i32
      %get3A_656 = arith.index_cast %add3A_655 : i32 to index
      %get3A_657 = tpu.vector_load %arg7[%get3A_656] {strides = array<i32>} : memref<8224xi32, #tpu.memory_space<vmem>>, vector<16xi32>,
      %eq3A_658 = vector.broadcast %or3A_334 : i32 to vector<16xi32>
      %eq3A_659 = arith.cmpi eq, %get3A_657, %eq3A_658 : vector<16xi32>
      %or3A_660 = arith.ori %or3A_651, %eq3A_659 : vector<16xi1>
      %add3A_661 = arith.constant 16 : i32
      %add3A_662 = arith.addi %add3A_661, %while3A_378 : i32
      %add3A_663 = arith.constant 496 : i32
      %add3A_664 = arith.addi %add3A_662, %add3A_663 : i32
      %get3A_665 = arith.index_cast %add3A_664 : i32 to index
      %get3A_666 = tpu.vector_load %arg7[%get3A_665] {strides = array<i32>} : memref<8224xi32, #tpu.memory_space<vmem>>, vector<16xi32>,
      %eq3A_667 = vector.broadcast %or3A_334 : i32 to vector<16xi32>
      %eq3A_668 = arith.cmpi eq, %get3A_666, %eq3A_667 : vector<16xi32>
      %or3A_669 = arith.ori %or3A_660, %eq3A_668 : vector<16xi1>
      %all_reduce_population_count3A = tpu.all_reduce %or3A_669 {dim = 0 : i64, kind = #tpu.reduction_kind<sum>} : vector<16xi1> -> vector<16xi32>
      %slice3A = vector.extract_strided_slice %all_reduce_population_count3A {offsets = [0], sizes = [1], strides = [1]} : vector<16xi32> to vector<1xi32>
      %squeeze3A = vector.extract %slice3A[0] : i32 from vector<1xi32>
      %gt3A = arith.constant 0 : i32
      %gt3A_670 = arith.cmpi sgt, %squeeze3A, %gt3A : i32
      %convert_element_type3A = arith.extui %gt3A_670 : i1 to i32
      %cond3A = arith.constant 0 : i32
      %cond3A_671 = arith.cmpi ne, %convert_element_type3A, %cond3A : i32
      %cond3A_672:4 = scf.if %cond3A_671 -> (i32, i32, i32, i32) {
        %scan3A = arith.constant 0 : i32
        %scan3A_675 = arith.constant 32 : i32
        %scan3A_676 = arith.addi %scan3A, %scan3A_675 : i32
        %scan3A_677 = arith.constant 1 : i32
        %scan3A_678:4 = scf.for %scan3A_680 = %scan3A to %scan3A_676 step %scan3A_677 iter_args(%scan3A_681 = %while3A_379, %scan3A_682 = %while3A_380, %scan3A_683 = %while3A_381, %scan3A_684 = %while3A_382) -> (i32, i32, i32, i32)  : i32 {
          %add3A_685 = arith.constant 16 : i32
          %add3A_686 = arith.addi %add3A_685, %while3A_378 : i32
          %mul3A_687 = arith.constant 16 : i32
          %mul3A_688 = arith.muli %scan3A_680, %mul3A_687 : i32
          %add3A_689 = arith.addi %add3A_686, %mul3A_688 : i32
          %mul3A_690 = arith.constant 16 : i32
          %mul3A_691 = arith.muli %scan3A_680, %mul3A_690 : i32
          %add3A_692 = arith.addi %while3A_378, %mul3A_691 : i32
          %add3A_693 = vector.broadcast %add3A_692 : i32 to vector<16xi32>
          %add3A_694 = arith.addi %add3A_693, %iota3A : vector<16xi32>
          %get3A_695 = arith.index_cast %add3A_689 : i32 to index
          %get3A_696 = tpu.vector_load %arg7[%get3A_695] {strides = array<i32>} : memref<8224xi32, #tpu.memory_space<vmem>>, vector<16xi32>,
          %sub3A_697 = arith.constant 2 : i32
          %sub3A_698 = arith.subi %add3A_689, %sub3A_697 : i32
          %get3A_699 = arith.index_cast %sub3A_698 : i32 to index
          %get3A_700 = tpu.vector_load %arg7[%get3A_699] {strides = array<i32>} : memref<8224xi32, #tpu.memory_space<vmem>>, vector<16xi32>,
          %sub3A_701 = arith.constant 4 : i32
          %sub3A_702 = arith.subi %add3A_689, %sub3A_701 : i32
          %get3A_703 = arith.index_cast %sub3A_702 : i32 to index
          %get3A_704 = tpu.vector_load %arg7[%get3A_703] {strides = array<i32>} : memref<8224xi32, #tpu.memory_space<vmem>>, vector<16xi32>,
          %eq3A_705 = vector.broadcast %or3A_334 : i32 to vector<16xi32>
          %eq3A_706 = arith.cmpi eq, %get3A_696, %eq3A_705 : vector<16xi32>
          %lt3A_707 = vector.broadcast %sub3A_248 : i32 to vector<16xi32>
          %lt3A_708 = arith.cmpi slt, %add3A_694, %lt3A_707 : vector<16xi32>
          %and3A_709 = arith.andi %eq3A_706, %lt3A_708 : vector<16xi1>
          %and3A_710 = arith.constant 65535 : i32
          %and3A_711 = vector.broadcast %and3A_710 : i32 to vector<16xi32>
          %and3A_712 = arith.andi %get3A_700, %and3A_711 : vector<16xi32>
          %eq3A_713 = vector.broadcast %reduce_max3A_303 : i32 to vector<16xi32>
          %eq3A_714 = arith.cmpi eq, %and3A_712, %eq3A_713 : vector<16xi32>
          %and3A_715 = arith.andi %and3A_709, %eq3A_714 : vector<16xi1>
          %eq3A_716 = vector.broadcast %or3A_337 : i32 to vector<16xi32>
          %eq3A_717 = arith.cmpi eq, %get3A_700, %eq3A_716 : vector<16xi32>
          %and3A_718 = arith.andi %and3A_709, %eq3A_717 : vector<16xi1>
          %and3A_719 = arith.constant 65535 : i32
          %and3A_720 = vector.broadcast %and3A_719 : i32 to vector<16xi32>
          %and3A_721 = arith.andi %get3A_704, %and3A_720 : vector<16xi32>
          %eq3A_722 = vector.broadcast %reduce_max3A_331 : i32 to vector<16xi32>
          %eq3A_723 = arith.cmpi eq, %and3A_721, %eq3A_722 : vector<16xi32>
          %and3A_724 = arith.andi %and3A_718, %eq3A_723 : vector<16xi1>
          %jit3A_725 = arith.constant 1073741824 : i32
          %broadcast_in_dim3A_726 = vector.broadcast %jit3A_725 : i32 to vector<16xi32>
          %select_n3A_727 = arith.select %and3A_709, %add3A_694, %broadcast_in_dim3A_726 : vector<16xi1>, vector<16xi32>
          %reduce_min3A = arith.constant true
          %reduce_min3A_728 = vector.broadcast %reduce_min3A : i1 to vector<16xi1>
          %reduce_min3A_729 = arith.constant -2147483648 : i32
          %reduce_min3A_730 = vector.broadcast %reduce_min3A_729 : i32 to vector<16xi32>
          %reduce_min3A_731 = arith.xori %select_n3A_727, %reduce_min3A_730 : vector<16xi32>
          %reduce_min3A_732 = tpu.scan <min>, %reduce_min3A_731 masked %reduce_min3A_728 : vector<16xi32>, vector<16xi1> -> vector<16xi32>
          %reduce_min3A_733 = arith.xori %reduce_min3A_732, %reduce_min3A_730 : vector<16xi32>
          %reduce_min3A_734 = vector.extract %reduce_min3A_733[15] : i32 from vector<16xi32>
          %min3A = arith.minsi %scan3A_681, %reduce_min3A_734 : i32
          %jit3A_735 = arith.constant 1073741824 : i32
          %broadcast_in_dim3A_736 = vector.broadcast %jit3A_735 : i32 to vector<16xi32>
          %select_n3A_737 = arith.select %and3A_715, %add3A_694, %broadcast_in_dim3A_736 : vector<16xi1>, vector<16xi32>
          %reduce_min3A_738 = arith.constant true
          %reduce_min3A_739 = vector.broadcast %reduce_min3A_738 : i1 to vector<16xi1>
          %reduce_min3A_740 = arith.constant -2147483648 : i32
          %reduce_min3A_741 = vector.broadcast %reduce_min3A_740 : i32 to vector<16xi32>
          %reduce_min3A_742 = arith.xori %select_n3A_737, %reduce_min3A_741 : vector<16xi32>
          %reduce_min3A_743 = tpu.scan <min>, %reduce_min3A_742 masked %reduce_min3A_739 : vector<16xi32>, vector<16xi1> -> vector<16xi32>
          %reduce_min3A_744 = arith.xori %reduce_min3A_743, %reduce_min3A_741 : vector<16xi32>
          %reduce_min3A_745 = vector.extract %reduce_min3A_744[15] : i32 from vector<16xi32>
          %min3A_746 = arith.minsi %scan3A_682, %reduce_min3A_745 : i32
          %jit3A_747 = arith.constant 1073741824 : i32
          %broadcast_in_dim3A_748 = vector.broadcast %jit3A_747 : i32 to vector<16xi32>
          %select_n3A_749 = arith.select %and3A_718, %add3A_694, %broadcast_in_dim3A_748 : vector<16xi1>, vector<16xi32>
          %reduce_min3A_750 = arith.constant true
          %reduce_min3A_751 = vector.broadcast %reduce_min3A_750 : i1 to vector<16xi1>
          %reduce_min3A_752 = arith.constant -2147483648 : i32
          %reduce_min3A_753 = vector.broadcast %reduce_min3A_752 : i32 to vector<16xi32>
          %reduce_min3A_754 = arith.xori %select_n3A_749, %reduce_min3A_753 : vector<16xi32>
          %reduce_min3A_755 = tpu.scan <min>, %reduce_min3A_754 masked %reduce_min3A_751 : vector<16xi32>, vector<16xi1> -> vector<16xi32>
          %reduce_min3A_756 = arith.xori %reduce_min3A_755, %reduce_min3A_753 : vector<16xi32>
          %reduce_min3A_757 = vector.extract %reduce_min3A_756[15] : i32 from vector<16xi32>
          %min3A_758 = arith.minsi %scan3A_683, %reduce_min3A_757 : i32
          %jit3A_759 = arith.constant 1073741824 : i32
          %broadcast_in_dim3A_760 = vector.broadcast %jit3A_759 : i32 to vector<16xi32>
          %select_n3A_761 = arith.select %and3A_724, %add3A_694, %broadcast_in_dim3A_760 : vector<16xi1>, vector<16xi32>
          %reduce_min3A_762 = arith.constant true
          %reduce_min3A_763 = vector.broadcast %reduce_min3A_762 : i1 to vector<16xi1>
          %reduce_min3A_764 = arith.constant -2147483648 : i32
          %reduce_min3A_765 = vector.broadcast %reduce_min3A_764 : i32 to vector<16xi32>
          %reduce_min3A_766 = arith.xori %select_n3A_761, %reduce_min3A_765 : vector<16xi32>
          %reduce_min3A_767 = tpu.scan <min>, %reduce_min3A_766 masked %reduce_min3A_763 : vector<16xi32>, vector<16xi1> -> vector<16xi32>
          %reduce_min3A_768 = arith.xori %reduce_min3A_767, %reduce_min3A_765 : vector<16xi32>
          %reduce_min3A_769 = vector.extract %reduce_min3A_768[15] : i32 from vector<16xi32>
          %min3A_770 = arith.minsi %scan3A_684, %reduce_min3A_769 : i32
          scf.yield %min3A, %min3A_746, %min3A_758, %min3A_770 : i32, i32, i32, i32
        }
        %scan3A_679 = arith.constant 32 : i32
        scf.yield %scan3A_678#0, %scan3A_678#1, %scan3A_678#2, %scan3A_678#3 : i32, i32, i32, i32
      } else {
        scf.yield %while3A_379, %while3A_380, %while3A_381, %while3A_382 : i32, i32, i32, i32
      }
      %add3A_673 = arith.constant 512 : i32
      %add3A_674 = arith.addi %while3A_378, %add3A_673 : i32
      scf.yield %add3A_674, %cond3A_672#0, %cond3A_672#1, %cond3A_672#2, %cond3A_672#3 : i32, i32, i32, i32, i32
    }
    %lt3A_344 = arith.constant 1073741824 : i32
    %lt3A_345 = arith.cmpi slt, %while3A_343#4, %lt3A_344 : i32
    %lt3A_346 = arith.constant 1073741824 : i32
    %lt3A_347 = arith.cmpi slt, %while3A_343#3, %lt3A_346 : i32
    %lt3A_348 = arith.constant 1073741824 : i32
    %lt3A_349 = arith.cmpi slt, %while3A_343#2, %lt3A_348 : i32
    %select_n3A_350 = arith.select %lt3A_349, %while3A_343#2, %while3A_343#1 : i32
    %select_n3A_351 = arith.select %lt3A_347, %while3A_343#3, %select_n3A_350 : i32
    %select_n3A_352 = arith.select %lt3A_345, %while3A_343#4, %select_n3A_351 : i32
    %lt3A_353 = arith.constant 1073741824 : i32
    %lt3A_354 = arith.cmpi slt, %select_n3A_352, %lt3A_353 : i32
    %add3A_355 = arith.constant 1 : i32
    %add3A_356 = arith.addi %select_n3A_352, %add3A_355 : i32
    %jit3A_357 = arith.constant 0 : i32
    %select_n3A_358 = arith.select %lt3A_354, %add3A_356, %jit3A_357 : i32
    %add3A_359 = arith.constant 16 : i32
    %add3A_360 = arith.addi %add3A_359, %select_n3A_358 : i32
    %get3A_361 = arith.index_cast %add3A_360 : i32 to index
    %get3A_362 = tpu.vector_load %arg7[%get3A_361] {strides = array<i32>} : memref<8224xi32, #tpu.memory_space<vmem>>, vector<16xi32>,
    %and3A_363 = arith.constant 65535 : i32
    %and3A_364 = vector.broadcast %and3A_363 : i32 to vector<16xi32>
    %and3A_365 = arith.andi %get3A_362, %and3A_364 : vector<16xi32>
    %lt3A_366 = arith.constant 8 : i32
    %lt3A_367 = vector.broadcast %lt3A_366 : i32 to vector<16xi32>
    %lt3A_368 = arith.cmpi slt, %iota3A, %lt3A_367 : vector<16xi32>
    %and3A_369 = vector.broadcast %lt3A_354 : i1 to vector<16xi1>
    %and3A_370 = arith.andi %and3A_369, %lt3A_368 : vector<16xi1>
    %jit3A_371 = arith.constant 0 : i32
    %broadcast_in_dim3A_372 = vector.broadcast %jit3A_371 : i32 to vector<16xi32>
    %select_n3A_373 = arith.select %and3A_370, %and3A_365, %broadcast_in_dim3A_372 : vector<16xi1>, vector<16xi32>
    %swap3A_374 = arith.constant 0 : index
    %swap3A_375 = tpu.vector_load %arg8[%swap3A_374] {strides = array<i32>} : memref<16xi32, #tpu.memory_space<vmem>>, vector<16xi32>,
    tpu.vector_store %arg8[%swap3A_374], %select_n3A_373 {strides = array<i32>} : memref<16xi32, #tpu.memory_space<vmem>>, vector<16xi32>,
    %mul3A_376 = arith.constant 8 : i32
    %mul3A_377 = arith.muli %add3A_204, %mul3A_376 : i32
    "tpu.region"() ({
      %run_scoped3A = tpu.sem_alloc : memref<!tpu.dma_semaphore, #tpu.memory_space<semaphore_mem>>
      %dma_start3A_378 = arith.constant 0 : i32
      %dma_start3A_379 = tpu.memref_slice %arg8[%dma_start3A_378] : memref<16xi32, #tpu.memory_space<vmem>> -> memref<8xi32, #tpu.memory_space<vmem>>
      %dma_start3A_380 = tpu.memref_slice %arg4[%mul3A_377] : memref<512xi32, #tpu.memory_space<hbm>> -> memref<8xi32, #tpu.memory_space<hbm>>
      %dma_start3A_381 = tpu.memref_slice %arg4[%mul3A_377] : memref<512xi32, #tpu.memory_space<hbm>> -> memref<8xi32, #tpu.memory_space<hbm>>
      %dma_start3A_382 = arith.constant 0 : i32
      %dma_start3A_383 = tpu.memref_slice %arg8[%dma_start3A_382] : memref<16xi32, #tpu.memory_space<vmem>> -> memref<8xi32, #tpu.memory_space<vmem>>
      tpu.enqueue_dma source(%dma_start3A_383 : memref<8xi32, #tpu.memory_space<vmem>>) target(%dma_start3A_381 : memref<8xi32, #tpu.memory_space<hbm>>) target_semaphore(%run_scoped3A : memref<!tpu.dma_semaphore, #tpu.memory_space<semaphore_mem>>)
      %dma_wait3A_384 = arith.constant 0 : i32
      %dma_wait3A_385 = tpu.memref_slice %arg8[%dma_wait3A_384] : memref<16xi32, #tpu.memory_space<vmem>> -> memref<8xi32, #tpu.memory_space<vmem>>
      %dma_wait3A_386 = tpu.memref_slice %arg4[%mul3A_377] : memref<512xi32, #tpu.memory_space<hbm>> -> memref<8xi32, #tpu.memory_space<hbm>>
      %dma_wait3A_387 = tpu.memref_slice %arg4[%mul3A_377] : memref<512xi32, #tpu.memory_space<hbm>> -> memref<8xi32, #tpu.memory_space<hbm>>
      %dma_wait3A_388 = arith.constant 0 : i32
      %dma_wait3A_389 = tpu.memref_slice %arg8[%dma_wait3A_388] : memref<16xi32, #tpu.memory_space<vmem>> -> memref<8xi32, #tpu.memory_space<vmem>>
      tpu.wait_dma2 semaphore(%run_scoped3A : memref<!tpu.dma_semaphore, #tpu.memory_space<semaphore_mem>>) src(%dma_wait3A_389 : memref<8xi32, #tpu.memory_space<vmem>>) dst(%dma_wait3A_387 : memref<8xi32, #tpu.memory_space<hbm>>)
      tpu.yield
    }) : () -> ()
    return
  }
}

</mosaic_0001>

<sc_bundles>
// kernel: kernel.3.cloned.1.call-start
scs
__scs_entry_jumppad:
0x0: {  	(pc) =	sbr.rel $0x88, $3  }
0x1: {  	(tag) =	ssettag $0x0;
	lr =	simm.s32 $0x1  }
0x2: {  	[smem:$0x3F9E] =	sst lr;
	_ =	strace $0xD0000000  }
0x3: {  	_ = 	snop  }
0x4: {  	_ = 	snop  }
0x5: {  	_ = 	snop  }
0x6: {  	_ = 	snop  }
0x7: {  	_ = 	snop  }
__scs_overlays_trampoline_lowered:
0x8: {  	[smem:$0x3FAD] =	sst s0  }
0x9: {  	[smem:$0x3FAE] =	sst s1  }
0xa: {  	[smem:$0x3FAF] =	sst s2  }
0xb: {  	[smem:$0x3FB0] =	sst s3  }
0xc: {  	[smem:$0x3FB1] =	sst s4  }
0xd: {  	[smem:$0x3FB2] =	sst s5  }
0xe: {  	[smem:$0x3FB3] =	sst s6  }
0xf: {  	[smem:$0x3FB4] =	sst s7  }
0x10: {  	[smem:$0x3FB5] =	sst s8  }
0x11: {  	[smem:$0x3FB6] =	sst s9;
	s0 =	simm.s32 @!p0 $0x0  }
0x12: {  	s1 =	sld [smem:$0x3F9C];
	s0 =	simm.s32 @p0 $0x1  }
0x13: {  	[smem:$0x3FB7] =	sst s0;
	s0 =	simm.s32 @!p1 $0x0  }
0x14: {  	s2 =	sld [smem:$0x3F9B];
	s0 =	simm.s32 @p1 $0x1  }
0x15: {  	[smem:$0x3FB8] =	sst s0;
	s0 =	simm.s32 @!p2 $0x0  }
0x16: {  	s3 =	sld [smem:$0x3FDB];
	s0 =	simm.s32 @p2 $0x1  }
0x17: {  	s4 =	simm.s32 $0x1BF5;
	[smem:$0x3FBA] =	sst s0  }
0x18: {  	s0 =	sld [smem:$0x3F9D];
	_ =	swait.ge [sflag:s4], $0x0  }
0x19: {  	s7 =	sld [smem:$0x3F9E]  }
0x1a: {  	s8 =	sadd.s32 $0xFFFFE003, lr  }
0x1b: {  	s9 =	sadd.s32 $0xFFFFFEF7, lr;
	s5 =	simm.s32 $0xFFFFFFFF;
	p2 =	slt.u32 s8, $0xFFFFF086  }
0x1c: {  	p1 =	slt.u32 s9, $0xF7A;
	s5 =	simm.s32 @!p2 $0x0  }
0x1d: {  	s5 =	simm.s32 @p1 $0x1;
	p0 =	seq.s32 s7, s2  }
0x1e: {  	s7 =	smul.u32 @!p0 $0xF7A, s2;
	p2 =	seq.s32 @!p0 s5, $0x0  }
0x1f: {  	s9 =	smul.u32 $0xF7A, s1;
	s8 =	simm.s32 @!p0 $0x1BF5;
	p2 =	por !p2, p0  }
0x20: {  	[sflag:s8] =	ssyncset.s32 @!p0 $0xFFFFF086;
	s6 =	sadd.s32 @!p0 s3, s7;
	s7 =	simm.s32 @!p0 $0x108  }
0x21: {  	s3 =	sadd.s32 s3, s9;
	s6 =	sadd.s32 @!p0 $0x88, s6;
	s7 =	simm.s32 @p2 $0x1082  }
0x22: {  	[simem:s7], [sflag:s8] =	dma.local @!p0 [hbm:s6], $0xF7A  }
0x23: {  	s9 =	sor.u32 $0xD0000000, s2;
	s6 =	simm.s32 $0x108;
	_ =	swait.ge @!p0 [sflag:s8], $0x0  }
0x24: {  	s3 =	sadd.s32 $0x88, s3;
	s6 =	simm.s32 @!p1 $0x1082;
	[sflag:s4] =	ssyncset.s32 $0xFFFFF086  }
0x25: {  	[simem:s6], [sflag:s4] =	dma.local [hbm:s3], $0xF7A  }
0x26: {  	[smem:$0x3F9E] =	sst s1;
	(tag) =	ssettag s2;
	_ =	strace s9  }
0x27: {  	s1 =	sld [smem:$0x3FAE]  }
0x28: {  	s2 =	sld [smem:$0x3FAF]  }
0x29: {  	s4 =	sld [smem:$0x3FB1]  }
0x2a: {  	p0 =	seq.s32 s5, $0x0;
	s5 =	sld [smem:$0x3FB2]  }
0x2b: {  	s6 =	sld [smem:$0x3FB3]  }
0x2c: {  	s7 =	sld [smem:$0x3FB4]  }
0x2d: {  	s3 =	simm.s32 $0x108;
	s8 =	sld [smem:$0x3FB5]  }
0x2e: {  	s3 =	simm.s32 @!p0 $0x1082;
	s9 =	sld [smem:$0x3FB6]  }
0x2f: {  	lr =	sadd.s32 s0, s3;
	s0 =	sld [smem:$0x3FAD]  }
0x30: {  	s3 =	sld [smem:$0x3FB0]  }
0x31: {  	[smem:$0x3FB9] =	sst s10  }
0x32: {  	s10 =	sld [smem:$0x3FB7];
	_ =	sdelay $0x3  }
0x33: {  	p0 =	seq.s32 s10, $0x1;
	s10 =	sld [smem:$0x3FB9];
	_ =	sdelay $0x3  }
0x34: {  	[smem:$0x3FB9] =	sst s10  }
0x35: {  	s10 =	sld [smem:$0x3FB8];
	_ =	sdelay $0x3  }
0x36: {  	p1 =	seq.s32 s10, $0x1;
	s10 =	sld [smem:$0x3FB9];
	_ =	sdelay $0x3  }
0x37: {  	[smem:$0x3FB9] =	sst s10  }
0x38: {  	s10 =	sld [smem:$0x3FBA]  }
0x39: {  	_ = 	snop;
	(pc) =	sbr.ind lr, $3  }
0x3a: {  	_ = 	snop  }
0x3b: {  	_ = 	snop  }
0x3c: {  	p2 =	seq.s32 s10, $0x1;
	s10 =	sld [smem:$0x3FB9]  }
0x3d: {  	_ =	shalt  }
0x3e: {  	_ =	shalt  }
0x3f: {  	_ =	shalt  }
0x40: {  	_ =	shalt  }
0x41: {  	_ =	shalt  }
0x42: {  	_ =	shalt  }
0x43: {  	_ =	shalt  }
0x44: {  	_ =	shalt  }
0x45: {  	_ =	shalt  }
0x46: {  	_ =	shalt  }
0x47: {  	_ =	shalt  }
0x48: {  	_ =	shalt  }
0x49: {  	_ =	shalt  }
0x4a: {  	_ =	shalt  }
0x4b: {  	_ =	shalt  }
0x4c: {  	_ =	shalt  }
0x4d: {  	_ =	shalt  }
0x4e: {  	_ =	shalt  }
0x4f: {  	_ =	shalt  }
0x50: {  	_ =	shalt  }
0x51: {  	_ =	shalt  }
0x52: {  	_ =	shalt  }
0x53: {  	_ =	shalt  }
0x54: {  	_ =	shalt  }
0x55: {  	_ =	shalt  }
0x56: {  	_ =	shalt  }
0x57: {  	_ =	shalt  }
0x58: {  	_ =	shalt  }
0x59: {  	_ =	shalt  }
0x5a: {  	_ =	shalt  }
0x5b: {  	_ =	shalt  }
0x5c: {  	_ =	shalt  }
0x5d: {  	_ =	shalt  }
0x5e: {  	_ =	shalt  }
0x5f: {  	_ =	shalt  }
0x60: {  	_ =	shalt  }
0x61: {  	_ =	shalt  }
0x62: {  	_ =	shalt  }
0x63: {  	_ =	shalt  }
0x64: {  	_ =	shalt  }
0x65: {  	_ =	shalt  }
0x66: {  	_ =	shalt  }
0x67: {  	_ =	shalt  }
0x68: {  	_ =	shalt  }
0x69: {  	_ =	shalt  }
0x6a: {  	_ =	shalt  }
0x6b: {  	_ =	shalt  }
0x6c: {  	_ =	shalt  }
0x6d: {  	_ =	shalt  }
0x6e: {  	_ =	shalt  }
0x6f: {  	_ =	shalt  }
0x70: {  	_ =	shalt  }
0x71: {  	_ =	shalt  }
0x72: {  	_ =	shalt  }
0x73: {  	_ =	shalt  }
0x74: {  	_ =	shalt  }
0x75: {  	_ =	shalt  }
0x76: {  	_ =	shalt  }
0x77: {  	_ =	shalt  }
0x78: {  	_ =	shalt  }
0x79: {  	_ =	shalt  }
0x7a: {  	_ =	shalt  }
0x7b: {  	_ =	shalt  }
0x7c: {  	_ =	shalt  }
0x7d: {  	_ =	shalt  }
0x7e: {  	_ =	shalt  }
0x7f: {  	_ =	shalt  }
0x80: {  	_ =	shalt  }
0x81: {  	_ =	shalt  }
0x82: {  	_ =	shalt  }
0x83: {  	_ =	shalt  }
0x84: {  	_ =	shalt  }
0x85: {  	_ =	shalt  }
0x86: {  	_ =	shalt  }
0x87: {  	_ =	shalt  }
.Lfunc_end0:
.L_simem_size_0:
called_computation_lowered:
.L_overlay_start_0:
0x88: {  	s2 =	sld [smem:$0x3FD9]  }
0x89: {  	s3 =	sld [smem:$0x3FFE];
	_ =	sdelay $0x1  }
0x8a: {  	s1 =	srdreg.scid  }
0x8b: {  	s0 =	sand.u32 $0x1, s1  }
0x8c: {  	s17 =	sshll.u32 s0, $0xA;
	s2 =	sadd.s32 s3, s2  }
0x8d: {  	s2 =	sadd.s32 s2, s17  }
0x8e: {  	[smem:$0x3FC5] =	sst s2  }
0x8f: {  	_ = 	snop  }
0x90: {  	s2 =	sld [smem:$0x3FD0];
	(tm) =	ssettm $0x1  }
0x91: {  	s18 =	sld [smem:$0x3FFB];
	_ =	sdelay $0x3  }
0x92: {  	_ =	strace s18  }
0x93: {  	s3 =	sld [smem:$0x3FFC];
	_ =	sdelay $0x3  }
0x94: {  	_ =	strace s3  }
0x95: {  	s3 =	sld [smem:$0x3FFD];
	_ =	sdelay $0x3  }
0x96: {  	_ =	strace s3  }
0x97: {  	_ =	strace $0x8FFFFFFF  }
0x98: {  	s19 =	sld [smem:$0x3FDB];
	_ =	sdelay $0x1  }
0x99: {  	s4 =	simm.s32 $_scs_section_size  }
0x9a: {  	s5 =	simm.s32 $_size__tile_overlayer_lowered;
	s6 =	simm.s32 $_tile_overlayer_lowered  }
0x9b: {  	s22 =	simm.s32 $0x1BFF;
	s21 =	sshll.u32 s6, $0x1;
	s3 =	sadd.s32 s4, s19  }
0x9c: {  	s7 =	simm.s32 $0x0;
	s20 =	sshll.u32 s5, $0x1;
	s5 =	sadd.s32 s21, s3  }
0x9d: {  	[timem:s7], [sflag:s22] =	dma.local [hbm:s5], s20  }
0x9e: {  	_ =	swait.ge [sflag:s22], s20  }
0x9f: {  	s4 =	ssub.s32 $0x0, s20;
	[sflag:s22] =	ssyncset.done $0x0  }
0xa0: {  	[sflag:s22] =	ssyncadd.s32 s4;
	_ =	sdelay $0x1  }
0xa1: {  	s23 =	simm.s32 $0x1B8B  }
0xa2: {  	_ =	swait.ge [sflag:s23], $0x1  }
0xa3: {  	[sflag:s23] =	ssyncset.done $0x0  }
0xa4: {  	s25 =	simm.s32 $0x1B8E;
	s24 =	sld [smem:$0x3FFE];
	[sflag:s23] =	ssyncadd.s32 $0xFFFFFFFF  }
0xa5: {  	s26 =	simm.s32 $execute0_lowered;
	[smem:$0x3FD2] =	sst s25  }
0xa6: {  	s5 =	sshll.u32 s26, $0x1;
	_ =	strace $0x80000046;
	[dreg:$0x1] =	wrdreg $0xFFFFFFFF  }
0xa7: {  	s28 =	simm.s32 $_size_execute0_lowered;
	s3 =	sadd.s32 s3, s5;
	[dreg:$0x0] =	wrdreg $0x0  }
0xa8: {  	s5 =	sshll.u32 s28, $0x1;
	[dreg:$0x2] =	wrdreg s3  }
0xa9: {  	[dreg:$0x3] =	wrdreg s5  }
0xaa: {  	[dreg:$0x4] =	wrdreg $0xC0  }
0xab: {  	_ =	task [dreg:s7], $0x5FFFF  }
0xac: {  	[dreg:$0x1] =	wrdreg $0xFFFFFFFF  }
0xad: {  	[dreg:$0x0] =	wrdreg $0x60  }
0xae: {  	[dreg:$0x2] =	wrdreg s24  }
0xaf: {  	[dreg:$0x3] =	wrdreg s2  }
0xb0: {  	[dreg:$0x4] =	wrdreg $0x9  }
0xb1: {  	_ =	task.clear_ibuf [dreg:s7], $0x5FFFF;
	_ =	strace $0x90000046  }
0xb2: {  	s29 =	simm.s32 $0x9;
	_ =	strace $0x80000048  }
0xb3: {  	_ =	swait.ge [sflag:s29], $0x1  }
0xb4: {  	[sflag:s29] =	ssyncadd.s32 $0xFFFFFFFF  }
0xb5: {  	_ =	strace $0x90000048  }
0xb6: {  	_ =	sfence  }
0xb7: {  	s30 =	sld [smem:$0x0];
	_ =	sdelay $0x2  }
0xb8: {  	s31 =	sshll.u32 s1, $0xD;
	s1 =	sshrl.u32 s1, $0x2  }
0xb9: {  	s3 =	sand.u32 $0x4000, s31;
	s1 =	sadd.s32 s1, s30  }
0xba: {  	s0 =	sor.u32 s3, s0;
	s1 =	sshll.u32 s1, $0x11  }
0xbb: {  	s0 =	sor.u32 s1, s0  }
0xbc: {  	s0 =	sadd.s32 $0x8F2B, s0  }
0xbd: {  	[sflag:s0] =	ssyncadd.remote.s32 $0x1  }
0xbe: {  	_ =	sfence.sel $0xFFFF  }
0xbf: {  	[dreg:$0x0] =	wrdreg $0xFFFFFFFF;
	(pc) =	sbr.abs _section_cstart, $3  }
0xc0: {  	[dreg:$0x1] =	wrdreg $0xFFFFFFFF  }
0xc1: {  	_ =	task.clear_ibuf [dreg:s7], $0x2FFFF;
	_ =	strace $0x9FFFFFFF  }
0xc2: {  	(tm) =	ssettm $0x7FFFFFFF  }
0xc3: {  	_ =	shalt  }
tec
execute0_lowered:
.L_overlay_start_1:
0x0: {  	(tag) =	ssettag $0x1  }
0x1: {  	s0 =	rddreg [dreg:$0x0]  }
0x2: {  	s1 =	rddreg [dreg:$0x1]  }
0x3: {  	s2 =	simm.s32 $0x0;
	s3 =	srdreg.scid;
	s6 =	stileid.u32  }
0x4: {  	s11 =	simm.s32 $0x2070;
	s12 =	simm.s32 $0x3;
	s13 =	simm.s32 $0x1  }
0x5: {  	s15 =	simm.s32 $0x4080;
	s16 =	simm.s32 $0x4;
	s17 =	simm.s32 $0x2  }
0x6: {  	s19 =	simm.s32 $0x0;
	[smem:$0x7FF] =	sst s2;
	s4 =	sand.u32 $0x1, s3  }
0x7: {  	s6 =	sshll.u32 s6, $0x1;
	s3 =	sadd.s32 $0x10800, s0;
	s0 =	sadd.s32 $0x800, s0  }
0x8: {  	_ =	strace $0x80000047;
	s5 =	ssub.s32 $0x2, s4;
	s6 =	sor.u32 s4, s6  }
.Ltmp0:
0x9: {  	v0 =	vlaneseq.u32;
	vm1 =	vcmask $0x70C;
	s7 =	sshrl.u32 s5, $0x1;
	s30 =	sshll.u32 s6, $0x1;
	(pc) =	sbr.rel .LBB2_1-.Ltmp0, $4  }
0xa: {  	vm2 =	vcmask $0xB10;
	vm3 =	vmmov $0x1;
	vm4 =	vcmask $0x308;
	s8 =	sshllo.u32 s6, $0x1;
	s9 =	ssub.s32 s5, s7;
	s5 =	sand.u32 $0x30, s30  }
0xb: {  	vm5 =	vcmask $0xF14;
	vm7 =	vmxor vm7, vm7;
	vm8 =	vmmov $0xff;
	s4 =	sshll.u32 s6, $0xB;
	s10 =	sand.u32 $0xE, s30;
	s31 =	ssub.s32 s8, s5  }
0xc: {  	v2 =	vmul.u32 $0xFFFFFFFF, v0;
	s4 =	sadd.s32 s0, s4;
	s6 =	sshll.u32 s8, $0xA;
	s7 =	sadd.s32 s1, s30;
	v1 =	vmov s10;
	v3 =	vmov s31  }
0xd: {  	s6 =	sadd.s32 s0, s6;
	s8 =	sadd.s32 s1, s8;
	s9 =	smax.u32 s9, $0x1;
	vm0 =	veq.s32 v1, v0;
	v1 =	vimm.s32 $0xFFFFFFFF;
	vm6 =	veq.s32 v3, v0  }
.LBB2_18:
0xe: {  	p0 =	slt.s32 s24, $0x40000000  }
0xf: {  	p1 =	slt.s32 s25, $0x40000000;
	s20 =	smov.u32 @p0 s24  }
0x10: {  	p0 =	slt.s32 s0, $0x40000000;
	s20 =	smov.u32 @p1 s25  }
0x11: {  	s20 =	smov.u32 @p0 s0  }
.LBB2_19:
0x12: {  	p0 =	slt.s32 s20, $0x40000000;
	s0 =	sadd.s32 $0x11, s20  }
0x13: {  	s0 =	simm.s32 @!p0 $0x10  }
0x14: {  	v3 =	vld [tilespmem:s0+$0x2060];
	_ =	sdelay $0x2  }
0x15: {  	vm9 =	vmmov vm7  }
0x16: {  	vm9 =	vmneg @p0 vm9  }
0x17: {  	s19 =	sadd.s32 $0x1, s19;
	vm9 =	vmand vm9, vm8;
	v3 =	vand.u32 $0xFFFF, v3  }
0x18: {  	p0 =	sne.s32 s19, s9;
	v3 =	vnsel vm9, $0x0, v3  }
.Ltmp1:
0x19: {  	[tilespmem:$0x4080] =	vst v3;
	(pc) =	sbr.rel @!p0 .LBB2_20-.Ltmp1, $4  }
0x1a: {  	[hbm4b:s8+s2] =	stream.linear.scatter [tilespmem:s15], [sflag:$0x4], $0x8, $0x38;
	[tilespmem:$0x4090] =	vst v63  }
0x1b: {  	_ =	swait.ge [sflag:s16], $0x8  }
0x1c: {  	[sflag:s16] =	ssyncset.done $0x0  }
0x1d: {  	[sflag:s16] =	ssyncadd.s32 $0xFFFFFFF8  }
.LBB2_1:
0x1e: {  	[tilespmem:s2], [sflag:$0x3] =	stream.linear.gather [hbm4b:s3+s2], $0x40, $0x38;
	[tilespmem:$0x4090] =	vst v63  }
0x1f: {  	s0 =	simm.s32 $0x50;
	[tilespmem:$0x40] =	vst v1  }
0x20: {  	[tilespmem:s0], [sflag:$0x1] =	stream.linear.gather [hbm4b:s4+s2], $0x2000, $0x38;
	[tilespmem:$0x4090] =	vst v63  }
0x21: {  	[tilespmem:$0x2060] =	vst v1  }
0x22: {  	[tilespmem:s11], [sflag:$0x2] =	stream.linear.gather [hbm4b:s6+s2], $0x2000, $0x38;
	[tilespmem:$0x4090] =	vst v63  }
0x23: {  	_ =	swait.ge [sflag:s12], $0x40  }
0x24: {  	[sflag:s12] =	ssyncset.done $0x0  }
0x25: {  	[sflag:s12] =	ssyncadd.s32 $0xFFFFFFC0  }
0x26: {  	_ =	swait.ge [sflag:s13], $0x2000  }
0x27: {  	[sflag:s13] =	ssyncset.done $0x0  }
0x28: {  	[sflag:s13] =	ssyncadd.s32 $0xFFFFE000  }
0x29: {  	v3 =	vld [tilespmem:s5+$0x0];
	_ =	sdelay $0x4  }
0x2a: {  	v3 =	vxor.u32 $0x80000000, v3  }
0x2b: {  	v3 =	vnsel vm0, $0x80000000, v3  }
0x2c: {  	(xrf0) =	vmax.scan.msk.u32 $0xffff, v3;
	_ =	sdelay $0x5  }
0x2d: {  	v3, _, _ =	vpop (xrf0)  }
0x2e: {  	(v2sf) =	vpush v3, $0xF;
	_ =	sdelay $0xe  }
0x2f: {  	s0 =	spop (v2sf)  }
0x30: {  	s21 =	sadd.s32 $0x7FFFFFF8, s0  }
0x31: {  	p0 =	slt.s32 s21, $0x1  }
.Ltmp2:
0x32: {  	_ = 	snop;
	(pc) =	sbr.rel @p0 .LBB2_10-.Ltmp2, $2  }
0x33: {  	_ =	sdelay $0x2  }
0x34: {  	s20 =	simm.s32 $0x40000000;
	s24 =	simm.s32 $0x40000000  }
0x35: {  	s0 =	sadd.s32 $0x8000000F, s0  }
0x36: {  	v3 =	vadd.s32 s0, v2  }
0x37: {  	vm9 =	vgt.s32 v3, $0x0  }
0x38: {  	v3 =	vnsel vm9, $0x0, v3;
	_ =	sdelay $0x3  }
0x39: {  	s29 =	simm.s32 $0x40  }
0x3a: {  	v3 =	vld.idx.msk [tilespmem:v3+s29+$0x0], $0xffff;
	_ =	sdelay $0x4  }
0x3b: {  	v3 =	vand.u32 $0xFFFF, v3  }
0x3c: {  	v4 =	vsel vm1, $0x0, v3  }
0x3d: {  	v5 =	vsel vm2, $0x0, v3;
	v4 =	vor.u32 $0x80000000, v4  }
0x3e: {  	(xrf0) =	vmax.scan.msk.u32 $0xffff, v4;
	v4 =	vor.u32 $0x80000000, v5;
	v5 =	vnsel vm3, $0x0, v3  }
0x3f: {  	(xrf0) =	vmax.scan.msk.u32 $0xffff, v4;
	v4 =	vor.u32 $0x80000000, v5;
	v5 =	vsel vm4, $0x0, v3  }
0x40: {  	v3 =	vsel vm5, $0x0, v3;
	(xrf0) =	vmax.scan.msk.u32 $0xffff, v4;
	v4 =	vor.u32 $0x80000000, v5  }
0x41: {  	v3 =	vor.u32 $0x80000000, v3;
	(xrf0) =	vmax.scan.msk.u32 $0xffff, v4  }
0x42: {  	(xrf0) =	vmax.scan.msk.u32 $0xffff, v3;
	_ =	sdelay $0x1  }
0x43: {  	v3, _, _ =	vpop (xrf0)  }
0x44: {  	v4, _, _ =	vpop (xrf0);
	(v2sf) =	vpush v3, $0xF  }
0x45: {  	v3, _, _ =	vpop (xrf0);
	(v2sf) =	vpush v4, $0xF  }
0x46: {  	v4, _, _ =	vpop (xrf0);
	(v2sf) =	vpush v3, $0xF  }
0x47: {  	(v2sf) =	vpush v4, $0xF;
	v3, _, _ =	vpop (xrf0)  }
0x48: {  	(v2sf) =	vpush v3, $0xF;
	_ =	sdelay $0xa  }
0x49: {  	s30 =	spop (v2sf)  }
0x4a: {  	s18 =	simm.s32 $0x40000000;
	s1 =	spop (v2sf)  }
.Ltmp3:
0x4b: {  	s26 =	simm.s32 $0x40000000;
	s14 =	spop (v2sf);
	(pc) =	sbr.rel .LBB2_3-.Ltmp3, $4  }
0x4c: {  	s0 =	sxor.u32 $0x80000000, s30;
	s1 =	sshll.u32 s1, $0x10;
	s22 =	spop (v2sf)  }
0x4d: {  	s14 =	sxor.u32 $0x80000000, s14;
	s22 =	sshll.u32 s22, $0x10;
	s31 =	spop (v2sf)  }
0x4e: {  	v4 =	vmov s21;
	v5 =	vmov s0;
	s1 =	sor.u32 s1, s0;
	s14 =	sor.u32 s22, s14;
	s23 =	sxor.u32 $0x80000000, s31  }
0x4f: {  	s24 =	simm.s32 $0x40000000;
	v6 =	vmov s1;
	s22 =	simm.s32 $0x0;
	v3 =	vmov s14;
	v7 =	vmov s23;
	s23 =	simm.s32 $0x50  }
.LBB2_4:
0x50: {  	s0 =	simm.s32 $0x40000000  }
.LBB2_8:
0x51: {  	s22 =	sadd.s32 $0x200, s22  }
0x52: {  	p0 =	sge.s32 s22, s21  }
0x53: {  	p1 =	sgt.s32 @!p0 s0, $0x3FFFFFFF  }
0x54: {  	p0 =	por p0, !p1  }
.Ltmp4:
0x55: {  	_ = 	snop;
	(pc) =	sbr.rel @p0 .LBB2_9-.Ltmp4, $2  }
0x56: {  	_ =	sdelay $0x2  }
0x57: {  	s23 =	sadd.s32 $0x200, s23  }
.LBB2_3:
0x58: {  	v8 =	vld [tilespmem:s22+$0x50]  }
0x59: {  	v9 =	vld [tilespmem:s22+$0x60]  }
0x5a: {  	v10 =	vld [tilespmem:s22+$0x70]  }
0x5b: {  	v11 =	vld [tilespmem:s22+$0x80]  }
0x5c: {  	v12 =	vld [tilespmem:s22+$0x90]  }
0x5d: {  	v13 =	vld [tilespmem:s22+$0xA0]  }
0x5e: {  	vm9 =	veq.s32 v8, v3;
	vm10 =	veq.s32 v9, v3;
	v8 =	vld [tilespmem:s22+$0xB0]  }
0x5f: {  	v44 =	vld [tilespmem:s22+$0xC0];
	vm9 =	vmor vm9, vm10;
	vm10 =	veq.s32 v10, v3  }
0x60: {  	v45 =	vld [tilespmem:s22+$0xD0];
	vm9 =	vmor vm9, vm10;
	vm10 =	veq.s32 v11, v3  }
0x61: {  	v46 =	vld [tilespmem:s22+$0xE0];
	vm9 =	vmor vm9, vm10;
	vm10 =	veq.s32 v12, v3  }
0x62: {  	v47 =	vld [tilespmem:s22+$0xF0];
	vm9 =	vmor vm9, vm10;
	vm10 =	veq.s32 v13, v3  }
0x63: {  	vm9 =	vmor vm9, vm10;
	vm10 =	veq.s32 v8, v3;
	v8 =	vld [tilespmem:s22+$0x100]  }
0x64: {  	v48 =	vld [tilespmem:s22+$0x110];
	vm9 =	vmor vm9, vm10;
	vm10 =	veq.s32 v44, v3  }
0x65: {  	v49 =	vld [tilespmem:s22+$0x120];
	vm9 =	vmor vm9, vm10;
	vm10 =	veq.s32 v45, v3  }
0x66: {  	v50 =	vld [tilespmem:s22+$0x130];
	vm9 =	vmor vm9, vm10;
	vm10 =	veq.s32 v46, v3  }
0x67: {  	v51 =	vld [tilespmem:s22+$0x140];
	vm9 =	vmor vm9, vm10;
	vm10 =	veq.s32 v47, v3  }
0x68: {  	vm9 =	vmor vm9, vm10;
	vm10 =	veq.s32 v8, v3;
	v8 =	vld [tilespmem:s22+$0x150]  }
0x69: {  	v52 =	vld [tilespmem:s22+$0x160];
	vm9 =	vmor vm9, vm10;
	vm10 =	veq.s32 v48, v3  }
0x6a: {  	v53 =	vld [tilespmem:s22+$0x170];
	vm9 =	vmor vm9, vm10;
	vm10 =	veq.s32 v49, v3  }
0x6b: {  	v54 =	vld [tilespmem:s22+$0x180];
	vm9 =	vmor vm9, vm10;
	vm10 =	veq.s32 v50, v3  }
0x6c: {  	v55 =	vld [tilespmem:s22+$0x190];
	vm9 =	vmor vm9, vm10;
	vm10 =	veq.s32 v51, v3  }
0x6d: {  	vm9 =	vmor vm9, vm10;
	vm10 =	veq.s32 v8, v3;
	v8 =	vld [tilespmem:s22+$0x1A0]  }
0x6e: {  	v56 =	vld [tilespmem:s22+$0x1B0];
	vm9 =	vmor vm9, vm10;
	vm10 =	veq.s32 v52, v3  }
0x6f: {  	v57 =	vld [tilespmem:s22+$0x1C0];
	vm9 =	vmor vm9, vm10;
	vm10 =	veq.s32 v53, v3  }
0x70: {  	v58 =	vld [tilespmem:s22+$0x1D0];
	vm9 =	vmor vm9, vm10;
	vm10 =	veq.s32 v54, v3  }
0x71: {  	v59 =	vld [tilespmem:s22+$0x1E0];
	vm9 =	vmor vm9, vm10;
	vm10 =	veq.s32 v55, v3  }
0x72: {  	vm9 =	vmor vm9, vm10;
	vm10 =	veq.s32 v8, v3;
	v8 =	vld [tilespmem:s22+$0x1F0]  }
0x73: {  	v60 =	vld [tilespmem:s22+$0x200];
	vm9 =	vmor vm9, vm10;
	vm10 =	veq.s32 v56, v3  }
0x74: {  	v61 =	vld [tilespmem:s22+$0x210];
	vm9 =	vmor vm9, vm10;
	vm10 =	veq.s32 v57, v3  }
0x75: {  	v62 =	vld [tilespmem:s22+$0x220];
	vm9 =	vmor vm9, vm10;
	vm10 =	veq.s32 v58, v3  }
0x76: {  	v63 =	vld [tilespmem:s22+$0x230];
	vm9 =	vmor vm9, vm10;
	vm10 =	veq.s32 v59, v3  }
0x77: {  	vm9 =	vmor vm9, vm10;
	vm10 =	veq.s32 v8, v3;
	v8 =	vld [tilespmem:s22+$0x240]  }
0x78: {  	vm9 =	vmor vm9, vm10;
	vm10 =	veq.s32 v60, v3  }
0x79: {  	vm9 =	vmor vm9, vm10;
	vm10 =	veq.s32 v61, v3  }
0x7a: {  	vm9 =	vmor vm9, vm10;
	vm10 =	veq.s32 v62, v3  }
0x7b: {  	vm9 =	vmor vm9, vm10;
	vm10 =	veq.s32 v63, v3  }
0x7c: {  	vm9 =	vmor vm9, vm10;
	vm10 =	veq.s32 v8, v3  }
0x7d: {  	vm9 =	vmor vm9, vm10  }
0x7e: {  	v8 =	vmpcnt.ones.xlane vm9;
	_ =	sdelay $0x1  }
0x7f: {  	(v2sf) =	vpush v8, $0x0;
	_ =	sdelay $0xe  }
0x80: {  	s0 =	spop (v2sf)  }
0x81: {  	p0 =	slt.s32 s0, $0x1  }
.Ltmp5:
0x82: {  	_ = 	snop;
	(pc) =	sbr.rel @p0 .LBB2_4-.Ltmp5, $1  }
0x83: {  	_ =	sdelay $0x3  }
0x84: {  	v9 =	vld [tilespmem:s23+$0x0]  }
0x85: {  	v10 =	vld [tilespmem:s23+$0xFFFFFFFC]  }
0x86: {  	v8 =	vld [tilespmem:s23+$0xFFFFFFFE]  }
0x87: {  	s0 =	sadd.s32 $0x10, s23;
	s1 =	sadd.s32 $0x0, s22;
	s25 =	sadd.s32 $0x10, s22  }
0x88: {  	v11 =	vor.u32 s1, v0;
	v12 =	vld [tilespmem:s0+$0xFFFFFFFE];
	v14 =	vor.u32 s25, v0  }
0x89: {  	vm9 =	vlt.s32 v11, v4;
	v11 =	vxor.u32 $0x80000000, v11;
	vm10 =	veq.s32 v9, v3;
	v9 =	vld [tilespmem:s0+$0x0]  }
0x8a: {  	vm12 =	vlt.s32 v14, v4;
	vm9 =	vmmov vm9;
	v10 =	vand.u32 $0xFFFF, v10  }
0x8b: {  	vm11 =	veq.s32 v10, v7;
	v10 =	vld [tilespmem:s0+$0xFFFFFFFC];
	vm9 =	vmand vm9, vm10;
	vm10 =	veq.s32 v8, v6  }
0x8c: {  	v13 =	vand.u32 $0xFFFF, v8;
	s0 =	sadd.s32 $0x10, s0;
	vm10 =	vmand vm9, vm10;
	v16 =	vnsel vm9, $0xC0000000, v11  }
0x8d: {  	v8 =	vand.u32 $0xFFFF, v12;
	v15 =	vld [tilespmem:s0+$0xFFFFFFFE];
	vm11 =	vmand vm10, vm11;
	v17 =	vnsel vm10, $0xC0000000, v11;
	(xrf0) =	vmin.scan.msk.u32 $0xffff, v16  }
0x8e: {  	vm13 =	veq.s32 v13, v5;
	v13 =	vld [tilespmem:s0+$0x0];
	(xrf0) =	vmin.scan.msk.u32 $0xffff, v17;
	vm10 =	veq.s32 v9, v3;
	v9 =	vnsel vm11, $0xC0000000, v11  }
0x8f: {  	vm9 =	vmand vm9, vm13;
	vm14 =	veq.s32 v8, v5;
	vm11 =	vmmov vm12;
	(xrf0) =	vmin.scan.msk.u32 $0xffff, v9  }
0x90: {  	s10 =	sadd.s32 $0x20, s22;
	v11 =	vnsel vm9, $0xC0000000, v11;
	v10 =	vand.u32 $0xFFFF, v10;
	v9 =	vxor.u32 $0x80000000, v14  }
0x91: {  	v14 =	vor.u32 s10, v0;
	vm10 =	vmand vm11, vm10;
	vm11 =	veq.s32 v12, v6;
	(xrf0) =	vmin.scan.msk.u32 $0xffff, v11  }
0x92: {  	vm12 =	veq.s32 v10, v7;
	vm13 =	vlt.s32 v14, v4;
	v11 =	vand.u32 $0xFFFF, v15  }
0x93: {  	v10 =	vld [tilespmem:s0+$0xFFFFFFFC];
	vm9 =	veq.s32 v13, v3;
	vm14 =	vmand vm10, vm14;
	v12 =	vnsel vm10, $0xC0000000, v9;
	v13, _, _ =	vpop (xrf0)  }
0x94: {  	vm11 =	vmand vm10, vm11;
	vm10 =	vmmov vm13;
	(v2sf) =	vpush v13, $0xF;
	v13, _, _ =	vpop (xrf0);
	(xrf0) =	vmin.scan.msk.u32 $0xffff, v12  }
0x95: {  	vm12 =	vmand vm11, vm12;
	v58 =	vnsel vm11, $0xC0000000, v9;
	(v2sf) =	vpush v13, $0xF;
	v13, _, _ =	vpop (xrf0)  }
0x96: {  	v12 =	vnsel vm14, $0xC0000000, v9;
	v9 =	vnsel vm12, $0xC0000000, v9;
	(xrf0) =	vmin.scan.msk.u32 $0xffff, v58;
	(v2sf) =	vpush v13, $0xF  }
0x97: {  	vm13 =	veq.s32 v11, v5;
	vm9 =	vmand vm10, vm9;
	vm10 =	veq.s32 v15, v6;
	v59, _, _ =	vpop (xrf0);
	(xrf0) =	vmin.scan.msk.u32 $0xffff, v9  }
0x98: {  	s0 =	sadd.s32 $0x10, s0;
	vm13 =	vmand vm9, vm13;
	v10 =	vand.u32 $0xFFFF, v10;
	v13 =	vxor.u32 $0x80000000, v14;
	(xrf0) =	vmin.scan.msk.u32 $0xffff, v12  }
0x99: {  	v57 =	vld [tilespmem:s0+$0x0];
	vm10 =	vmand vm9, vm10;
	vm11 =	veq.s32 v10, v7;
	v11 =	vnsel vm9, $0xC0000000, v13  }
0x9a: {  	v8 =	vld [tilespmem:s0+$0xFFFFFFFE];
	(v2sf) =	vpush v59, $0xF;
	vm11 =	vmand vm10, vm11;
	v61 =	vnsel vm10, $0xC0000000, v13;
	v15, _, _ =	vpop (xrf0)  }
0x9b: {  	(xrf0) =	vmin.scan.msk.u32 $0xffff, v11;
	(v2sf) =	vpush v15, $0xF;
	v15 =	vnsel vm13, $0xC0000000, v13;
	v13 =	vnsel vm11, $0xC0000000, v13  }
0x9c: {  	s14 =	sadd.s32 $0x30, s22;
	(xrf0) =	vmin.scan.msk.u32 $0xffff, v61;
	v11, _, _ =	vpop (xrf0)  }
0x9d: {  	v9 =	vor.u32 s14, v0;
	(xrf0) =	vmin.scan.msk.u32 $0xffff, v13;
	(v2sf) =	vpush v11, $0xF;
	v11, _, _ =	vpop (xrf0)  }
0x9e: {  	v10 =	vld [tilespmem:s0+$0xFFFFFFFC];
	vm14 =	veq.s32 v57, v3;
	vm12 =	vlt.s32 v9, v4;
	v13, _, _ =	vpop (xrf0);
	(xrf0) =	vmin.scan.msk.u32 $0xffff, v15  }
0x9f: {  	s0 =	sadd.s32 $0x10, s0;
	v12 =	vand.u32 $0xFFFF, v8;
	v9 =	vxor.u32 $0x80000000, v9;
	vm9 =	vmmov vm12  }
0xa0: {  	v60 =	vld [tilespmem:s0+$0x0];
	vm12 =	veq.s32 v12, v5;
	vm9 =	vmand vm9, vm14;
	(v2sf) =	vpush v11, $0xF  }
0xa1: {  	v14 =	vld [tilespmem:s0+$0xFFFFFFFE];
	s14 =	sadd.s32 $0x10, s0;
	vm14 =	veq.s32 v8, v6;
	vm12 =	vmand vm9, vm12;
	(v2sf) =	vpush v13, $0xF;
	v15, _, _ =	vpop (xrf0)  }
0xa2: {  	v62 =	vld [tilespmem:s14+$0x0];
	vm15 =	vmand vm9, vm14;
	v12 =	vnsel vm9, $0xC0000000, v9;
	(v2sf) =	vpush v15, $0xF;
	v15, _, _ =	vpop (xrf0)  }
0xa3: {  	v8 =	vld [tilespmem:s14+$0xFFFFFFFE];
	v10 =	vand.u32 $0xFFFF, v10;
	v63 =	vnsel vm15, $0xC0000000, v9;
	s1 =	spop (v2sf);
	(v2sf) =	vpush v15, $0xF;
	v15, _, _ =	vpop (xrf0)  }
0xa4: {  	s25 =	sadd.s32 $0x40, s22;
	v18 =	vnsel vm12, $0xC0000000, v9;
	vm10 =	veq.s32 v10, v7;
	v10 =	vld [tilespmem:s0+$0xFFFFFFFC];
	s10 =	spop (v2sf);
	(v2sf) =	vpush v15, $0xF;
	v15, _, _ =	vpop (xrf0)  }
0xa5: {  	vm13 =	veq.s32 v60, v3;
	v11 =	vor.u32 s25, v0;
	s25 =	spop (v2sf);
	(v2sf) =	vpush v15, $0xF  }
0xa6: {  	s30 =	simm.s32 $0x60;
	vm9 =	vmand vm15, vm10;
	vm11 =	vlt.s32 v11, v4;
	v13 =	vand.u32 $0xFFFF, v14;
	(xrf0) =	vmin.scan.msk.u32 $0xffff, v12  }
0xa7: {  	s29 =	sadd.s32 $0x50, s22;
	v9 =	vnsel vm9, $0xC0000000, v9;
	vm9 =	veq.s32 v62, v3;
	vm14 =	vmmov vm11;
	(xrf0) =	vmin.scan.msk.u32 $0xffff, v63;
	s28 =	sxor.u32 $0x80000000, s1;
	s1 =	sxor.u32 $0x80000000, s10  }
0xa8: {  	s31 =	sadd.s32 $0x10, s14;
	vm12 =	veq.s32 v13, v5;
	(xrf0) =	vmin.scan.msk.u32 $0xffff, v9;
	v9 =	vand.u32 $0xFFFF, v8;
	vm13 =	vmand vm14, vm13;
	p0 =	slt.s32 s24, s28;
	p1 =	slt.s32 s26, s1  }
0xa9: {  	v12 =	vand.u32 $0xFFFF, v10;
	v10 =	vxor.u32 $0x80000000, v11;
	v11 =	vor.u32 s29, v0;
	s29 =	spop (v2sf);
	s0 =	sxor.u32 $0x80000000, s25;
	s1 =	smov.u32 @p1 s26  }
0xaa: {  	vm14 =	veq.s32 v14, v6;
	vm10 =	veq.s32 v12, v7;
	vm11 =	vlt.s32 v11, v4;
	v12 =	vld [tilespmem:s14+$0xFFFFFFFC];
	(xrf0) =	vmin.scan.msk.u32 $0xffff, v18;
	s26 =	simm.s32 $0x40000000;
	s29 =	sxor.u32 $0x80000000, s29;
	p1 =	sgt.s32 s0, $0x40000000  }
.LBB2_6:
0xab: {  	s14 =	smov.u32 s1;
	s1 =	smov.u32 s26;
	s25 =	smov.u32 s18  }
0xac: {  	s18 =	smov.u32 s24;
	s24 =	smov.u32 s28;
	s26 =	smov.u32 s0  }
0xad: {  	vm12 =	vmand vm13, vm12;
	s0 =	smov.u32 s30;
	s10 =	smov.u32 s31;
	s24 =	smov.u32 @p0 s18  }
0xae: {  	vm14 =	vmand vm13, vm14;
	v18 =	vnsel vm13, $0xC0000000, v10;
	vm13 =	vmmov vm11;
	v13 =	vld [tilespmem:s31+$0xFFFFFFFE];
	v15, _, _ =	vpop (xrf0);
	p0 =	slt.s32 s25, s29;
	s26 =	smov.u32 @p1 s1;
	s18 =	smov.u32 s29  }
0xaf: {  	p2 =	sne.s32 s30, $0x1F0;
	s30 =	sadd.s32 $0x10, s30;
	vm10 =	vmand vm14, vm10;
	v19 =	vnsel vm14, $0xC0000000, v10;
	v16 =	vld [tilespmem:s31+$0x0];
	(xrf0) =	vmin.scan.msk.u32 $0xffff, v18;
	(v2sf) =	vpush v15, $0xF;
	v14, _, _ =	vpop (xrf0);
	s18 =	smov.u32 @p0 s25  }
.Ltmp6:
0xb0: {  	s31 =	sadd.s32 $0x10, s31;
	v15 =	vnsel vm12, $0xC0000000, v10;
	v18 =	vnsel vm10, $0xC0000000, v10;
	(xrf0) =	vmin.scan.msk.u32 $0xffff, v19;
	(v2sf) =	vpush v14, $0xF;
	v14, _, _ =	vpop (xrf0);
	s1 =	spop (v2sf);
	(pc) =	sbr.rel @p2 .LBB2_6-.Ltmp6, $4  }
0xb1: {  	s0 =	sadd.s32 s0, s22;
	v10 =	vxor.u32 $0x80000000, v11;
	v12 =	vand.u32 $0xFFFF, v12;
	(xrf0) =	vmin.scan.msk.u32 $0xffff, v18;
	v17, _, _ =	vpop (xrf0);
	(v2sf) =	vpush v14, $0xF;
	s28 =	sxor.u32 $0x80000000, s1;
	s1 =	spop (v2sf)  }
0xb2: {  	v11 =	vor.u32 s0, v0;
	vm10 =	veq.s32 v12, v7;
	(xrf0) =	vmin.scan.msk.u32 $0xffff, v15;
	(v2sf) =	vpush v17, $0xF;
	p0 =	slt.s32 s24, s28;
	s1 =	sxor.u32 $0x80000000, s1;
	s0 =	spop (v2sf)  }
0xb3: {  	vm12 =	veq.s32 v9, v5;
	vm11 =	vlt.s32 v11, v4;
	v12 =	vld [tilespmem:s10+$0xFFFFFFFC];
	v9 =	vand.u32 $0xFFFF, v13;
	p1 =	slt.s32 s14, s1;
	s0 =	sxor.u32 $0x80000000, s0;
	s10 =	spop (v2sf)  }
0xb4: {  	vm13 =	vmand vm13, vm9;
	vm14 =	veq.s32 v8, v6;
	v8 =	vmovc v13;
	vm9 =	veq.s32 v16, v3;
	s29 =	sxor.u32 $0x80000000, s10;
	s1 =	smov.u32 @p1 s14;
	p1 =	slt.s32 s26, s0  }
0xb5: {  	vm14 =	vmand vm13, vm14;
	v13 =	vnsel vm13, $0xC0000000, v10  }
0xb6: {  	v53, _, _ =	vpop (xrf0);
	(xrf0) =	vmin.scan.msk.u32 $0xffff, v13;
	vm10 =	vmand vm14, vm10;
	v14 =	vnsel vm14, $0xC0000000, v10  }
0xb7: {  	vm12 =	vmand vm13, vm12;
	(v2sf) =	vpush v53, $0xF;
	v54, _, _ =	vpop (xrf0);
	v15 =	vnsel vm10, $0xC0000000, v10;
	(xrf0) =	vmin.scan.msk.u32 $0xffff, v14  }
0xb8: {  	v11 =	vxor.u32 $0x80000000, v11;
	v55 =	vnsel vm12, $0xC0000000, v10;
	vm10 =	vmmov vm11;
	v56, _, _ =	vpop (xrf0);
	(xrf0) =	vmin.scan.msk.u32 $0xffff, v15  }
0xb9: {  	(v2sf) =	vpush v54, $0xF;
	v12 =	vand.u32 $0xFFFF, v12;
	vm9 =	vmand vm10, vm9;
	(xrf0) =	vmin.scan.msk.u32 $0xffff, v55  }
0xba: {  	(v2sf) =	vpush v56, $0xF;
	v57, _, _ =	vpop (xrf0);
	vm10 =	veq.s32 v8, v6;
	v8 =	vnsel vm9, $0xC0000000, v11  }
0xbb: {  	s10 =	spop (v2sf);
	vm11 =	veq.s32 v12, v7;
	(v2sf) =	vpush v57, $0xF;
	vm10 =	vmand vm9, vm10  }
0xbc: {  	s28 =	smov.u32 @p0 s24;
	vm12 =	veq.s32 v9, v5;
	vm11 =	vmand vm10, vm11;
	v59 =	vnsel vm10, $0xC0000000, v11;
	(xrf0) =	vmin.scan.msk.u32 $0xffff, v8;
	v58, _, _ =	vpop (xrf0)  }
0xbd: {  	p0 =	slt.s32 s18, s29;
	s0 =	smov.u32 @p1 s26;
	s14 =	spop (v2sf);
	vm9 =	vmand vm9, vm12;
	v60 =	vnsel vm11, $0xC0000000, v11;
	(v2sf) =	vpush v58, $0xF;
	v8, _, _ =	vpop (xrf0);
	(xrf0) =	vmin.scan.msk.u32 $0xffff, v59  }
0xbe: {  	s29 =	smov.u32 @p0 s18;
	s10 =	sxor.u32 $0x80000000, s10;
	s24 =	spop (v2sf);
	v61 =	vnsel vm9, $0xC0000000, v11;
	(v2sf) =	vpush v8, $0xF;
	v8, _, _ =	vpop (xrf0);
	(xrf0) =	vmin.scan.msk.u32 $0xffff, v60  }
0xbf: {  	s14 =	sxor.u32 $0x80000000, s14;
	p0 =	slt.s32 s28, s10;
	s25 =	spop (v2sf);
	v62, _, _ =	vpop (xrf0);
	(v2sf) =	vpush v8, $0xF;
	(xrf0) =	vmin.scan.msk.u32 $0xffff, v61  }
0xc0: {  	p1 =	slt.s32 s1, s14;
	s18 =	sxor.u32 $0x80000000, s24;
	s26 =	spop (v2sf);
	(v2sf) =	vpush v62, $0xF  }
0xc1: {  	s14 =	smov.u32 @p1 s1;
	s24 =	sxor.u32 $0x80000000, s25;
	p1 =	slt.s32 s0, s18  }
0xc2: {  	s10 =	smov.u32 @p0 s28;
	p0 =	slt.s32 s29, s24;
	s18 =	smov.u32 @p1 s0;
	v8, _, _ =	vpop (xrf0)  }
0xc3: {  	s24 =	smov.u32 @p0 s29;
	s30 =	spop (v2sf);
	s1 =	sxor.u32 $0x80000000, s26;
	(v2sf) =	vpush v8, $0xF;
	v8, _, _ =	vpop (xrf0)  }
0xc4: {  	s0 =	sxor.u32 $0x80000000, s30;
	p0 =	slt.s32 s10, s1;
	s25 =	spop (v2sf);
	(v2sf) =	vpush v8, $0xF;
	v8, _, _ =	vpop (xrf0)  }
0xc5: {  	p1 =	slt.s32 s14, s0;
	s25 =	sxor.u32 $0x80000000, s25;
	s31 =	spop (v2sf);
	v63, _, _ =	vpop (xrf0);
	(v2sf) =	vpush v8, $0xF  }
0xc6: {  	s0 =	smov.u32 @p1 s14;
	s14 =	sxor.u32 $0x80000000, s31;
	s28 =	spop (v2sf);
	(v2sf) =	vpush v63, $0xF  }
0xc7: {  	s1 =	smov.u32 @p0 s10;
	p0 =	slt.s32 s18, s25;
	p1 =	slt.s32 s24, s14  }
0xc8: {  	s25 =	smov.u32 @p0 s18;
	s14 =	smov.u32 @p1 s24;
	s29 =	spop (v2sf)  }
0xc9: {  	s10 =	sxor.u32 $0x80000000, s28;
	s18 =	sxor.u32 $0x80000000, s29;
	s30 =	spop (v2sf)  }
0xca: {  	p0 =	slt.s32 s1, s10;
	p1 =	slt.s32 s0, s18;
	s31 =	spop (v2sf)  }
0xcb: {  	s24 =	sxor.u32 $0x80000000, s30;
	s10 =	smov.u32 @p0 s1;
	s26 =	sxor.u32 $0x80000000, s31  }
0xcc: {  	s18 =	smov.u32 @p1 s0;
	p1 =	slt.s32 s25, s24;
	s28 =	spop (v2sf)  }
0xcd: {  	p0 =	slt.s32 s14, s26;
	s24 =	smov.u32 @p1 s25;
	s29 =	spop (v2sf)  }
0xce: {  	s26 =	smov.u32 @p0 s14;
	s14 =	sxor.u32 $0x80000000, s28;
	s30 =	spop (v2sf)  }
0xcf: {  	p0 =	slt.s32 s10, s14;
	s1 =	sxor.u32 $0x80000000, s29;
	s31 =	spop (v2sf)  }
0xd0: {  	p1 =	slt.s32 s18, s1;
	s28 =	sxor.u32 $0x80000000, s30;
	s14 =	smov.u32 @p0 s10  }
0xd1: {  	s25 =	sxor.u32 $0x80000000, s31;
	s1 =	smov.u32 @p1 s18;
	p1 =	slt.s32 s24, s28  }
0xd2: {  	p0 =	slt.s32 s26, s25;
	s28 =	smov.u32 @p1 s24;
	s24 =	spop (v2sf)  }
0xd3: {  	s25 =	smov.u32 @p0 s26;
	s24 =	sxor.u32 $0x80000000, s24;
	s29 =	spop (v2sf)  }
.Ltmp7:
0xd4: {  	p0 =	slt.s32 s14, s24;
	s30 =	spop (v2sf);
	(pc) =	sbr.rel .LBB2_8-.Ltmp7, $4  }
0xd5: {  	s26 =	sxor.u32 $0x80000000, s29;
	s24 =	smov.u32 @p0 s14;
	s31 =	spop (v2sf)  }
0xd6: {  	p1 =	slt.s32 s1, s26;
	s0 =	sxor.u32 $0x80000000, s30;
	s18 =	sxor.u32 $0x80000000, s31  }
0xd7: {  	s26 =	smov.u32 @p1 s1;
	p1 =	slt.s32 s28, s0;
	p0 =	slt.s32 s25, s18  }
0xd8: {  	s0 =	smov.u32 @p1 s28;
	s18 =	smov.u32 @p0 s25  }
.LBB2_9:
0xd9: {  	p0 =	slt.s32 s18, $0x40000000  }
0xda: {  	p1 =	slt.s32 s26, $0x40000000;
	s24 =	smov.u32 @p0 s18  }
0xdb: {  	p0 =	slt.s32 s0, $0x40000000;
	s24 =	smov.u32 @p1 s26  }
0xdc: {  	s24 =	smov.u32 @p0 s0  }
.LBB2_10:
0xdd: {  	p0 =	slt.s32 s24, $0x40000000;
	s0 =	sadd.s32 $0x11, s24  }
0xde: {  	s0 =	simm.s32 @!p0 $0x10  }
0xdf: {  	v3 =	vld [tilespmem:s0+$0x40];
	_ =	sdelay $0x2  }
0xe0: {  	vm9 =	vmmov vm7  }
0xe1: {  	vm9 =	vmneg @p0 vm9  }
0xe2: {  	vm9 =	vmand vm9, vm8;
	v3 =	vand.u32 $0xFFFF, v3  }
0xe3: {  	v3 =	vnsel vm9, $0x0, v3  }
0xe4: {  	[tilespmem:$0x4080] =	vst v3  }
0xe5: {  	[hbm4b:s7+s2] =	stream.linear.scatter [tilespmem:s15], [sflag:$0x4], $0x8, $0x38;
	[tilespmem:$0x4090] =	vst v63  }
0xe6: {  	_ =	swait.ge [sflag:s16], $0x8  }
0xe7: {  	[sflag:s16] =	ssyncset.done $0x0  }
0xe8: {  	[sflag:s16] =	ssyncadd.s32 $0xFFFFFFF8  }
0xe9: {  	_ =	swait.ge [sflag:s17], $0x2000  }
0xea: {  	[sflag:s17] =	ssyncset.done $0x0  }
0xeb: {  	[sflag:s17] =	ssyncadd.s32 $0xFFFFE000  }
0xec: {  	v3 =	vld [tilespmem:s5+$0x0];
	_ =	sdelay $0x4  }
0xed: {  	v3 =	vxor.u32 $0x80000000, v3  }
0xee: {  	v3 =	vnsel vm6, $0x80000000, v3  }
0xef: {  	(xrf0) =	vmax.scan.msk.u32 $0xffff, v3;
	_ =	sdelay $0x5  }
0xf0: {  	v3, _, _ =	vpop (xrf0)  }
0xf1: {  	(v2sf) =	vpush v3, $0xF;
	_ =	sdelay $0xe  }
0xf2: {  	s0 =	spop (v2sf)  }
0xf3: {  	s21 =	sadd.s32 $0x7FFFFFF8, s0  }
0xf4: {  	p0 =	slt.s32 s21, $0x1  }
.Ltmp8:
0xf5: {  	_ = 	snop;
	(pc) =	sbr.rel @p0 .LBB2_19-.Ltmp8, $1  }
0xf6: {  	_ =	sdelay $0x3  }
0xf7: {  	s0 =	sadd.s32 $0x8000000F, s0  }
0xf8: {  	v3 =	vadd.s32 s0, v2  }
0xf9: {  	vm9 =	vgt.s32 v3, $0x0  }
0xfa: {  	v3 =	vnsel vm9, $0x0, v3;
	_ =	sdelay $0x3  }
0xfb: {  	s29 =	simm.s32 $0x2060  }
0xfc: {  	v3 =	vld.idx.msk [tilespmem:v3+s29+$0x0], $0xffff;
	_ =	sdelay $0x4  }
0xfd: {  	v3 =	vand.u32 $0xFFFF, v3  }
0xfe: {  	v4 =	vsel vm1, $0x0, v3  }
0xff: {  	v5 =	vsel vm2, $0x0, v3;
	v4 =	vor.u32 $0x80000000, v4  }
0x100: {  	(xrf0) =	vmax.scan.msk.u32 $0xffff, v4;
	v4 =	vor.u32 $0x80000000, v5;
	v5 =	vnsel vm3, $0x0, v3  }
0x101: {  	(xrf0) =	vmax.scan.msk.u32 $0xffff, v4;
	v4 =	vor.u32 $0x80000000, v5;
	v5 =	vsel vm4, $0x0, v3  }
0x102: {  	v3 =	vsel vm5, $0x0, v3;
	(xrf0) =	vmax.scan.msk.u32 $0xffff, v4;
	v4 =	vor.u32 $0x80000000, v5  }
0x103: {  	v3 =	vor.u32 $0x80000000, v3;
	(xrf0) =	vmax.scan.msk.u32 $0xffff, v4  }
0x104: {  	(xrf0) =	vmax.scan.msk.u32 $0xffff, v3;
	_ =	sdelay $0x1  }
0x105: {  	v3, _, _ =	vpop (xrf0)  }
0x106: {  	v4, _, _ =	vpop (xrf0);
	(v2sf) =	vpush v3, $0xF  }
0x107: {  	v3, _, _ =	vpop (xrf0);
	(v2sf) =	vpush v4, $0xF  }
0x108: {  	v4, _, _ =	vpop (xrf0);
	(v2sf) =	vpush v3, $0xF  }
0x109: {  	(v2sf) =	vpush v4, $0xF;
	v3, _, _ =	vpop (xrf0)  }
0x10a: {  	(v2sf) =	vpush v3, $0xF;
	_ =	sdelay $0xa  }
0x10b: {  	s30 =	spop (v2sf)  }
0x10c: {  	s22 =	simm.s32 $0x0;
	s1 =	spop (v2sf)  }
.Ltmp9:
0x10d: {  	s24 =	simm.s32 $0x40000000;
	s10 =	spop (v2sf);
	(pc) =	sbr.rel .LBB2_12-.Ltmp9, $4  }
0x10e: {  	s0 =	sxor.u32 $0x80000000, s30;
	s1 =	sshll.u32 s1, $0x10;
	s14 =	spop (v2sf)  }
0x10f: {  	s10 =	sxor.u32 $0x80000000, s10;
	s14 =	sshll.u32 s14, $0x10;
	s31 =	spop (v2sf)  }
0x110: {  	v4 =	vmov s21;
	v5 =	vmov s0;
	s1 =	sor.u32 s1, s0;
	s10 =	sor.u32 s14, s10;
	s14 =	sxor.u32 $0x80000000, s31  }
0x111: {  	s23 =	simm.s32 $0x2070;
	s25 =	simm.s32 $0x40000000;
	s20 =	simm.s32 $0x40000000;
	v6 =	vmov s1;
	v3 =	vmov s10;
	v7 =	vmov s14  }
.LBB2_13:
0x112: {  	s0 =	simm.s32 $0x40000000  }
.LBB2_17:
0x113: {  	s22 =	sadd.s32 $0x200, s22  }
0x114: {  	p0 =	sge.s32 s22, s21  }
0x115: {  	p1 =	sgt.s32 @!p0 s0, $0x3FFFFFFF  }
0x116: {  	p0 =	por p0, !p1  }
.Ltmp10:
0x117: {  	_ = 	snop;
	(pc) =	sbr.rel @p0 .LBB2_18-.Ltmp10, $2  }
0x118: {  	_ =	sdelay $0x2  }
0x119: {  	s23 =	sadd.s32 $0x200, s23  }
.LBB2_12:
0x11a: {  	v8 =	vld [tilespmem:s22+$0x2070]  }
0x11b: {  	v9 =	vld [tilespmem:s22+$0x2080]  }
0x11c: {  	v10 =	vld [tilespmem:s22+$0x2090]  }
0x11d: {  	v11 =	vld [tilespmem:s22+$0x20A0]  }
0x11e: {  	v12 =	vld [tilespmem:s22+$0x20B0]  }
0x11f: {  	v13 =	vld [tilespmem:s22+$0x20C0]  }
0x120: {  	vm9 =	veq.s32 v8, v3;
	vm10 =	veq.s32 v9, v3;
	v8 =	vld [tilespmem:s22+$0x20D0]  }
0x121: {  	v44 =	vld [tilespmem:s22+$0x20E0];
	vm9 =	vmor vm9, vm10;
	vm10 =	veq.s32 v10, v3  }
0x122: {  	v45 =	vld [tilespmem:s22+$0x20F0];
	vm9 =	vmor vm9, vm10;
	vm10 =	veq.s32 v11, v3  }
0x123: {  	v46 =	vld [tilespmem:s22+$0x2100];
	vm9 =	vmor vm9, vm10;
	vm10 =	veq.s32 v12, v3  }
0x124: {  	v47 =	vld [tilespmem:s22+$0x2110];
	vm9 =	vmor vm9, vm10;
	vm10 =	veq.s32 v13, v3  }
0x125: {  	vm9 =	vmor vm9, vm10;
	vm10 =	veq.s32 v8, v3;
	v8 =	vld [tilespmem:s22+$0x2120]  }
0x126: {  	v48 =	vld [tilespmem:s22+$0x2130];
	vm9 =	vmor vm9, vm10;
	vm10 =	veq.s32 v44, v3  }
0x127: {  	v49 =	vld [tilespmem:s22+$0x2140];
	vm9 =	vmor vm9, vm10;
	vm10 =	veq.s32 v45, v3  }
0x128: {  	v50 =	vld [tilespmem:s22+$0x2150];
	vm9 =	vmor vm9, vm10;
	vm10 =	veq.s32 v46, v3  }
0x129: {  	v51 =	vld [tilespmem:s22+$0x2160];
	vm9 =	vmor vm9, vm10;
	vm10 =	veq.s32 v47, v3  }
0x12a: {  	vm9 =	vmor vm9, vm10;
	vm10 =	veq.s32 v8, v3;
	v8 =	vld [tilespmem:s22+$0x2170]  }
0x12b: {  	v52 =	vld [tilespmem:s22+$0x2180];
	vm9 =	vmor vm9, vm10;
	vm10 =	veq.s32 v48, v3  }
0x12c: {  	v53 =	vld [tilespmem:s22+$0x2190];
	vm9 =	vmor vm9, vm10;
	vm10 =	veq.s32 v49, v3  }
0x12d: {  	v54 =	vld [tilespmem:s22+$0x21A0];
	vm9 =	vmor vm9, vm10;
	vm10 =	veq.s32 v50, v3  }
0x12e: {  	v55 =	vld [tilespmem:s22+$0x21B0];
	vm9 =	vmor vm9, vm10;
	vm10 =	veq.s32 v51, v3  }
0x12f: {  	vm9 =	vmor vm9, vm10;
	vm10 =	veq.s32 v8, v3;
	v8 =	vld [tilespmem:s22+$0x21C0]  }
0x130: {  	v56 =	vld [tilespmem:s22+$0x21D0];
	vm9 =	vmor vm9, vm10;
	vm10 =	veq.s32 v52, v3  }
0x131: {  	v57 =	vld [tilespmem:s22+$0x21E0];
	vm9 =	vmor vm9, vm10;
	vm10 =	veq.s32 v53, v3  }
0x132: {  	v58 =	vld [tilespmem:s22+$0x21F0];
	vm9 =	vmor vm9, vm10;
	vm10 =	veq.s32 v54, v3  }
0x133: {  	v59 =	vld [tilespmem:s22+$0x2200];
	vm9 =	vmor vm9, vm10;
	vm10 =	veq.s32 v55, v3  }
0x134: {  	vm9 =	vmor vm9, vm10;
	vm10 =	veq.s32 v8, v3;
	v8 =	vld [tilespmem:s22+$0x2210]  }
0x135: {  	v60 =	vld [tilespmem:s22+$0x2220];
	vm9 =	vmor vm9, vm10;
	vm10 =	veq.s32 v56, v3  }
0x136: {  	v61 =	vld [tilespmem:s22+$0x2230];
	vm9 =	vmor vm9, vm10;
	vm10 =	veq.s32 v57, v3  }
0x137: {  	v62 =	vld [tilespmem:s22+$0x2240];
	vm9 =	vmor vm9, vm10;
	vm10 =	veq.s32 v58, v3  }
0x138: {  	v63 =	vld [tilespmem:s22+$0x2250];
	vm9 =	vmor vm9, vm10;
	vm10 =	veq.s32 v59, v3  }
0x139: {  	vm9 =	vmor vm9, vm10;
	vm10 =	veq.s32 v8, v3;
	v8 =	vld [tilespmem:s22+$0x2260]  }
0x13a: {  	vm9 =	vmor vm9, vm10;
	vm10 =	veq.s32 v60, v3  }
0x13b: {  	vm9 =	vmor vm9, vm10;
	vm10 =	veq.s32 v61, v3  }
0x13c: {  	vm9 =	vmor vm9, vm10;
	vm10 =	veq.s32 v62, v3  }
0x13d: {  	vm9 =	vmor vm9, vm10;
	vm10 =	veq.s32 v63, v3  }
0x13e: {  	vm9 =	vmor vm9, vm10;
	vm10 =	veq.s32 v8, v3  }
0x13f: {  	vm9 =	vmor vm9, vm10  }
0x140: {  	v8 =	vmpcnt.ones.xlane vm9;
	_ =	sdelay $0x1  }
0x141: {  	(v2sf) =	vpush v8, $0x0;
	_ =	sdelay $0xe  }
0x142: {  	s0 =	spop (v2sf)  }
0x143: {  	p0 =	slt.s32 s0, $0x1  }
.Ltmp11:
0x144: {  	_ = 	snop;
	(pc) =	sbr.rel @p0 .LBB2_13-.Ltmp11, $1  }
0x145: {  	_ =	sdelay $0x3  }
0x146: {  	v9 =	vld [tilespmem:s23+$0x0]  }
0x147: {  	v10 =	vld [tilespmem:s23+$0xFFFFFFFC]  }
0x148: {  	v8 =	vld [tilespmem:s23+$0xFFFFFFFE]  }
0x149: {  	s0 =	sadd.s32 $0x10, s23;
	s1 =	sadd.s32 $0x0, s22;
	s31 =	sadd.s32 $0x10, s22  }
0x14a: {  	v11 =	vor.u32 s1, v0;
	v12 =	vld [tilespmem:s0+$0xFFFFFFFE];
	v14 =	vor.u32 s31, v0  }
0x14b: {  	vm9 =	vlt.s32 v11, v4;
	v11 =	vxor.u32 $0x80000000, v11;
	vm10 =	veq.s32 v9, v3;
	v9 =	vld [tilespmem:s0+$0x0]  }
0x14c: {  	vm12 =	vlt.s32 v14, v4;
	vm9 =	vmmov vm9;
	v10 =	vand.u32 $0xFFFF, v10  }
0x14d: {  	vm11 =	veq.s32 v10, v7;
	v10 =	vld [tilespmem:s0+$0xFFFFFFFC];
	vm9 =	vmand vm9, vm10;
	vm10 =	veq.s32 v8, v6  }
0x14e: {  	v13 =	vand.u32 $0xFFFF, v8;
	s0 =	sadd.s32 $0x10, s0;
	vm10 =	vmand vm9, vm10;
	v16 =	vnsel vm9, $0xC0000000, v11  }
0x14f: {  	v8 =	vand.u32 $0xFFFF, v12;
	v15 =	vld [tilespmem:s0+$0xFFFFFFFE];
	vm11 =	vmand vm10, vm11;
	v17 =	vnsel vm10, $0xC0000000, v11;
	(xrf0) =	vmin.scan.msk.u32 $0xffff, v16  }
0x150: {  	vm13 =	veq.s32 v13, v5;
	v13 =	vld [tilespmem:s0+$0x0];
	(xrf0) =	vmin.scan.msk.u32 $0xffff, v17;
	vm10 =	veq.s32 v9, v3;
	v9 =	vnsel vm11, $0xC0000000, v11  }
0x151: {  	vm9 =	vmand vm9, vm13;
	vm14 =	veq.s32 v8, v5;
	vm11 =	vmmov vm12;
	(xrf0) =	vmin.scan.msk.u32 $0xffff, v9  }
0x152: {  	s10 =	sadd.s32 $0x20, s22;
	v11 =	vnsel vm9, $0xC0000000, v11;
	v10 =	vand.u32 $0xFFFF, v10;
	v9 =	vxor.u32 $0x80000000, v14  }
0x153: {  	v14 =	vor.u32 s10, v0;
	vm10 =	vmand vm11, vm10;
	vm11 =	veq.s32 v12, v6;
	(xrf0) =	vmin.scan.msk.u32 $0xffff, v11  }
0x154: {  	vm12 =	veq.s32 v10, v7;
	vm13 =	vlt.s32 v14, v4;
	v11 =	vand.u32 $0xFFFF, v15  }
0x155: {  	v10 =	vld [tilespmem:s0+$0xFFFFFFFC];
	vm9 =	veq.s32 v13, v3;
	vm14 =	vmand vm10, vm14;
	v12 =	vnsel vm10, $0xC0000000, v9;
	v13, _, _ =	vpop (xrf0)  }
0x156: {  	vm11 =	vmand vm10, vm11;
	vm10 =	vmmov vm13;
	(v2sf) =	vpush v13, $0xF;
	v13, _, _ =	vpop (xrf0);
	(xrf0) =	vmin.scan.msk.u32 $0xffff, v12  }
0x157: {  	vm12 =	vmand vm11, vm12;
	v58 =	vnsel vm11, $0xC0000000, v9;
	(v2sf) =	vpush v13, $0xF;
	v13, _, _ =	vpop (xrf0)  }
0x158: {  	v12 =	vnsel vm14, $0xC0000000, v9;
	v9 =	vnsel vm12, $0xC0000000, v9;
	(xrf0) =	vmin.scan.msk.u32 $0xffff, v58;
	(v2sf) =	vpush v13, $0xF  }
0x159: {  	vm13 =	veq.s32 v11, v5;
	vm9 =	vmand vm10, vm9;
	vm10 =	veq.s32 v15, v6;
	v59, _, _ =	vpop (xrf0);
	(xrf0) =	vmin.scan.msk.u32 $0xffff, v9  }
0x15a: {  	s0 =	sadd.s32 $0x10, s0;
	vm13 =	vmand vm9, vm13;
	v10 =	vand.u32 $0xFFFF, v10;
	v13 =	vxor.u32 $0x80000000, v14;
	(xrf0) =	vmin.scan.msk.u32 $0xffff, v12  }
0x15b: {  	v57 =	vld [tilespmem:s0+$0x0];
	vm10 =	vmand vm9, vm10;
	vm11 =	veq.s32 v10, v7;
	v11 =	vnsel vm9, $0xC0000000, v13  }
0x15c: {  	v8 =	vld [tilespmem:s0+$0xFFFFFFFE];
	(v2sf) =	vpush v59, $0xF;
	vm11 =	vmand vm10, vm11;
	v61 =	vnsel vm10, $0xC0000000, v13;
	v15, _, _ =	vpop (xrf0)  }
0x15d: {  	(xrf0) =	vmin.scan.msk.u32 $0xffff, v11;
	(v2sf) =	vpush v15, $0xF;
	v15 =	vnsel vm13, $0xC0000000, v13;
	v13 =	vnsel vm11, $0xC0000000, v13  }
0x15e: {  	s14 =	sadd.s32 $0x30, s22;
	(xrf0) =	vmin.scan.msk.u32 $0xffff, v61;
	v11, _, _ =	vpop (xrf0)  }
0x15f: {  	v9 =	vor.u32 s14, v0;
	(xrf0) =	vmin.scan.msk.u32 $0xffff, v13;
	(v2sf) =	vpush v11, $0xF;
	v11, _, _ =	vpop (xrf0)  }
0x160: {  	v10 =	vld [tilespmem:s0+$0xFFFFFFFC];
	vm14 =	veq.s32 v57, v3;
	vm12 =	vlt.s32 v9, v4;
	v13, _, _ =	vpop (xrf0);
	(xrf0) =	vmin.scan.msk.u32 $0xffff, v15  }
0x161: {  	s0 =	sadd.s32 $0x10, s0;
	v12 =	vand.u32 $0xFFFF, v8;
	v9 =	vxor.u32 $0x80000000, v9;
	vm9 =	vmmov vm12  }
0x162: {  	v60 =	vld [tilespmem:s0+$0x0];
	vm12 =	veq.s32 v12, v5;
	vm9 =	vmand vm9, vm14;
	(v2sf) =	vpush v11, $0xF  }
0x163: {  	v14 =	vld [tilespmem:s0+$0xFFFFFFFE];
	s10 =	sadd.s32 $0x10, s0;
	vm14 =	veq.s32 v8, v6;
	vm12 =	vmand vm9, vm12;
	(v2sf) =	vpush v13, $0xF;
	v15, _, _ =	vpop (xrf0)  }
0x164: {  	v62 =	vld [tilespmem:s10+$0x0];
	vm15 =	vmand vm9, vm14;
	v12 =	vnsel vm9, $0xC0000000, v9;
	(v2sf) =	vpush v15, $0xF;
	v15, _, _ =	vpop (xrf0)  }
0x165: {  	v8 =	vld [tilespmem:s10+$0xFFFFFFFE];
	v10 =	vand.u32 $0xFFFF, v10;
	v63 =	vnsel vm15, $0xC0000000, v9;
	s26 =	spop (v2sf);
	(v2sf) =	vpush v15, $0xF;
	v15, _, _ =	vpop (xrf0)  }
0x166: {  	s18 =	sadd.s32 $0x40, s22;
	v18 =	vnsel vm12, $0xC0000000, v9;
	vm10 =	veq.s32 v10, v7;
	v10 =	vld [tilespmem:s0+$0xFFFFFFFC];
	s31 =	spop (v2sf);
	(v2sf) =	vpush v15, $0xF;
	v15, _, _ =	vpop (xrf0)  }
0x167: {  	vm13 =	veq.s32 v60, v3;
	v11 =	vor.u32 s18, v0;
	s18 =	spop (v2sf);
	(v2sf) =	vpush v15, $0xF  }
0x168: {  	s29 =	simm.s32 $0x60;
	vm9 =	vmand vm15, vm10;
	vm11 =	vlt.s32 v11, v4;
	v13 =	vand.u32 $0xFFFF, v14;
	(xrf0) =	vmin.scan.msk.u32 $0xffff, v12  }
0x169: {  	s14 =	sadd.s32 $0x50, s22;
	v9 =	vnsel vm9, $0xC0000000, v9;
	vm9 =	veq.s32 v62, v3;
	vm14 =	vmmov vm11;
	(xrf0) =	vmin.scan.msk.u32 $0xffff, v63;
	s26 =	sxor.u32 $0x80000000, s26;
	s1 =	sxor.u32 $0x80000000, s31  }
0x16a: {  	s30 =	sadd.s32 $0x10, s10;
	vm12 =	veq.s32 v13, v5;
	(xrf0) =	vmin.scan.msk.u32 $0xffff, v9;
	v9 =	vand.u32 $0xFFFF, v8;
	vm13 =	vmand vm14, vm13;
	p0 =	slt.s32 s20, s26;
	p1 =	slt.s32 s25, s1  }
0x16b: {  	v12 =	vand.u32 $0xFFFF, v10;
	v10 =	vxor.u32 $0x80000000, v11;
	v11 =	vor.u32 s14, v0;
	s31 =	spop (v2sf);
	s0 =	sxor.u32 $0x80000000, s18;
	s1 =	smov.u32 @p1 s25  }
0x16c: {  	vm14 =	veq.s32 v14, v6;
	vm10 =	veq.s32 v12, v7;
	vm11 =	vlt.s32 v11, v4;
	v12 =	vld [tilespmem:s10+$0xFFFFFFFC];
	(xrf0) =	vmin.scan.msk.u32 $0xffff, v18;
	s25 =	simm.s32 $0x40000000;
	s28 =	sxor.u32 $0x80000000, s31;
	p1 =	sgt.s32 s0, $0x40000000  }
.LBB2_15:
0x16d: {  	s14 =	smov.u32 s1;
	s1 =	smov.u32 s25;
	s10 =	smov.u32 s24  }
0x16e: {  	s18 =	smov.u32 s20;
	s20 =	smov.u32 s26;
	s25 =	smov.u32 s0  }
0x16f: {  	vm12 =	vmand vm13, vm12;
	s0 =	smov.u32 s29;
	s20 =	smov.u32 @p0 s18;
	p0 =	slt.s32 s24, s28  }
0x170: {  	vm14 =	vmand vm13, vm14;
	v18 =	vnsel vm13, $0xC0000000, v10;
	vm13 =	vmmov vm11;
	v13 =	vld [tilespmem:s30+$0xFFFFFFFE];
	v15, _, _ =	vpop (xrf0);
	s25 =	smov.u32 @p1 s1;
	s18 =	smov.u32 s30;
	s24 =	smov.u32 s28  }
0x171: {  	p2 =	sne.s32 s29, $0x1F0;
	s29 =	sadd.s32 $0x10, s29;
	vm10 =	vmand vm14, vm10;
	v19 =	vnsel vm14, $0xC0000000, v10;
	v16 =	vld [tilespmem:s30+$0x0];
	(xrf0) =	vmin.scan.msk.u32 $0xffff, v18;
	(v2sf) =	vpush v15, $0xF;
	v14, _, _ =	vpop (xrf0);
	s24 =	smov.u32 @p0 s10  }
.Ltmp12:
0x172: {  	s30 =	sadd.s32 $0x10, s30;
	v15 =	vnsel vm12, $0xC0000000, v10;
	v18 =	vnsel vm10, $0xC0000000, v10;
	(xrf0) =	vmin.scan.msk.u32 $0xffff, v19;
	(v2sf) =	vpush v14, $0xF;
	v14, _, _ =	vpop (xrf0);
	s1 =	spop (v2sf);
	(pc) =	sbr.rel @p2 .LBB2_15-.Ltmp12, $4  }
0x173: {  	s0 =	sadd.s32 s0, s22;
	v10 =	vxor.u32 $0x80000000, v11;
	v12 =	vand.u32 $0xFFFF, v12;
	(xrf0) =	vmin.scan.msk.u32 $0xffff, v18;
	v17, _, _ =	vpop (xrf0);
	(v2sf) =	vpush v14, $0xF;
	s26 =	sxor.u32 $0x80000000, s1;
	s1 =	spop (v2sf)  }
0x174: {  	v11 =	vor.u32 s0, v0;
	vm10 =	veq.s32 v12, v7;
	(xrf0) =	vmin.scan.msk.u32 $0xffff, v15;
	(v2sf) =	vpush v17, $0xF;
	p0 =	slt.s32 s20, s26;
	s1 =	sxor.u32 $0x80000000, s1;
	s0 =	spop (v2sf)  }
0x175: {  	vm12 =	veq.s32 v9, v5;
	vm11 =	vlt.s32 v11, v4;
	v12 =	vld [tilespmem:s18+$0xFFFFFFFC];
	v9 =	vand.u32 $0xFFFF, v13;
	p1 =	slt.s32 s14, s1;
	s0 =	sxor.u32 $0x80000000, s0;
	s10 =	spop (v2sf)  }
0x176: {  	vm13 =	vmand vm13, vm9;
	vm14 =	veq.s32 v8, v6;
	v8 =	vmovc v13;
	vm9 =	veq.s32 v16, v3;
	s28 =	sxor.u32 $0x80000000, s10;
	s1 =	smov.u32 @p1 s14;
	p1 =	slt.s32 s25, s0  }
0x177: {  	vm14 =	vmand vm13, vm14;
	v13 =	vnsel vm13, $0xC0000000, v10  }
0x178: {  	v53, _, _ =	vpop (xrf0);
	(xrf0) =	vmin.scan.msk.u32 $0xffff, v13;
	vm10 =	vmand vm14, vm10;
	v14 =	vnsel vm14, $0xC0000000, v10  }
0x179: {  	vm12 =	vmand vm13, vm12;
	(v2sf) =	vpush v53, $0xF;
	v54, _, _ =	vpop (xrf0);
	v15 =	vnsel vm10, $0xC0000000, v10;
	(xrf0) =	vmin.scan.msk.u32 $0xffff, v14  }
0x17a: {  	v11 =	vxor.u32 $0x80000000, v11;
	v55 =	vnsel vm12, $0xC0000000, v10;
	vm10 =	vmmov vm11;
	v56, _, _ =	vpop (xrf0);
	(xrf0) =	vmin.scan.msk.u32 $0xffff, v15  }
0x17b: {  	(v2sf) =	vpush v54, $0xF;
	v12 =	vand.u32 $0xFFFF, v12;
	vm9 =	vmand vm10, vm9;
	(xrf0) =	vmin.scan.msk.u32 $0xffff, v55  }
0x17c: {  	(v2sf) =	vpush v56, $0xF;
	v57, _, _ =	vpop (xrf0);
	vm10 =	veq.s32 v8, v6;
	v8 =	vnsel vm9, $0xC0000000, v11  }
0x17d: {  	s10 =	spop (v2sf);
	vm11 =	veq.s32 v12, v7;
	(v2sf) =	vpush v57, $0xF;
	vm10 =	vmand vm9, vm10  }
0x17e: {  	s26 =	smov.u32 @p0 s20;
	vm12 =	veq.s32 v9, v5;
	vm11 =	vmand vm10, vm11;
	v59 =	vnsel vm10, $0xC0000000, v11;
	(xrf0) =	vmin.scan.msk.u32 $0xffff, v8;
	v58, _, _ =	vpop (xrf0)  }
0x17f: {  	p0 =	slt.s32 s24, s28;
	s0 =	smov.u32 @p1 s25;
	s14 =	spop (v2sf);
	vm9 =	vmand vm9, vm12;
	v60 =	vnsel vm11, $0xC0000000, v11;
	(v2sf) =	vpush v58, $0xF;
	v8, _, _ =	vpop (xrf0);
	(xrf0) =	vmin.scan.msk.u32 $0xffff, v59  }
0x180: {  	s28 =	smov.u32 @p0 s24;
	s10 =	sxor.u32 $0x80000000, s10;
	s18 =	spop (v2sf);
	v61 =	vnsel vm9, $0xC0000000, v11;
	(v2sf) =	vpush v8, $0xF;
	v8, _, _ =	vpop (xrf0);
	(xrf0) =	vmin.scan.msk.u32 $0xffff, v60  }
0x181: {  	s14 =	sxor.u32 $0x80000000, s14;
	p0 =	slt.s32 s26, s10;
	s24 =	spop (v2sf);
	v62, _, _ =	vpop (xrf0);
	(v2sf) =	vpush v8, $0xF;
	(xrf0) =	vmin.scan.msk.u32 $0xffff, v61  }
0x182: {  	p1 =	slt.s32 s1, s14;
	s18 =	sxor.u32 $0x80000000, s18;
	s25 =	spop (v2sf);
	(v2sf) =	vpush v62, $0xF  }
0x183: {  	s14 =	smov.u32 @p1 s1;
	s20 =	sxor.u32 $0x80000000, s24;
	p1 =	slt.s32 s0, s18  }
0x184: {  	s10 =	smov.u32 @p0 s26;
	p0 =	slt.s32 s28, s20;
	s18 =	smov.u32 @p1 s0;
	v8, _, _ =	vpop (xrf0)  }
0x185: {  	s20 =	smov.u32 @p0 s28;
	s26 =	spop (v2sf);
	s1 =	sxor.u32 $0x80000000, s25;
	(v2sf) =	vpush v8, $0xF;
	v8, _, _ =	vpop (xrf0)  }
0x186: {  	s0 =	sxor.u32 $0x80000000, s26;
	p0 =	slt.s32 s10, s1;
	s28 =	spop (v2sf);
	(v2sf) =	vpush v8, $0xF;
	v8, _, _ =	vpop (xrf0)  }
0x187: {  	p1 =	slt.s32 s14, s0;
	s24 =	sxor.u32 $0x80000000, s28;
	s29 =	spop (v2sf);
	v63, _, _ =	vpop (xrf0);
	(v2sf) =	vpush v8, $0xF  }
0x188: {  	s0 =	smov.u32 @p1 s14;
	s14 =	sxor.u32 $0x80000000, s29;
	s30 =	spop (v2sf);
	(v2sf) =	vpush v63, $0xF  }
0x189: {  	s1 =	smov.u32 @p0 s10;
	p0 =	slt.s32 s18, s24;
	p1 =	slt.s32 s20, s14  }
0x18a: {  	s24 =	smov.u32 @p0 s18;
	s14 =	smov.u32 @p1 s20;
	s31 =	spop (v2sf)  }
0x18b: {  	s10 =	sxor.u32 $0x80000000, s30;
	s18 =	sxor.u32 $0x80000000, s31;
	s25 =	spop (v2sf)  }
0x18c: {  	p0 =	slt.s32 s1, s10;
	p1 =	slt.s32 s0, s18;
	s26 =	spop (v2sf)  }
0x18d: {  	s20 =	sxor.u32 $0x80000000, s25;
	s10 =	smov.u32 @p0 s1;
	s25 =	sxor.u32 $0x80000000, s26  }
0x18e: {  	s18 =	smov.u32 @p1 s0;
	p1 =	slt.s32 s24, s20;
	s28 =	spop (v2sf)  }
0x18f: {  	p0 =	slt.s32 s14, s25;
	s20 =	smov.u32 @p1 s24;
	s29 =	spop (v2sf)  }
0x190: {  	s25 =	smov.u32 @p0 s14;
	s14 =	sxor.u32 $0x80000000, s28;
	s30 =	spop (v2sf)  }
0x191: {  	p0 =	slt.s32 s10, s14;
	s1 =	sxor.u32 $0x80000000, s29;
	s31 =	spop (v2sf)  }
0x192: {  	p1 =	slt.s32 s18, s1;
	s26 =	sxor.u32 $0x80000000, s30;
	s14 =	smov.u32 @p0 s10  }
0x193: {  	s28 =	sxor.u32 $0x80000000, s31;
	s1 =	smov.u32 @p1 s18;
	p1 =	slt.s32 s20, s26  }
0x194: {  	s24 =	spop (v2sf);
	p0 =	slt.s32 s25, s28;
	s26 =	smov.u32 @p1 s20  }
0x195: {  	s20 =	sxor.u32 $0x80000000, s24;
	s28 =	smov.u32 @p0 s25;
	s29 =	spop (v2sf)  }
.Ltmp13:
0x196: {  	p0 =	slt.s32 s14, s20;
	s30 =	spop (v2sf);
	(pc) =	sbr.rel .LBB2_17-.Ltmp13, $4  }
0x197: {  	s20 =	smov.u32 @p0 s14;
	s25 =	sxor.u32 $0x80000000, s29;
	s31 =	spop (v2sf)  }
0x198: {  	p1 =	slt.s32 s1, s25;
	s0 =	sxor.u32 $0x80000000, s30;
	s24 =	sxor.u32 $0x80000000, s31  }
0x199: {  	s25 =	smov.u32 @p1 s1;
	p1 =	slt.s32 s26, s0;
	p0 =	slt.s32 s28, s24  }
0x19a: {  	s0 =	smov.u32 @p1 s26;
	s24 =	smov.u32 @p0 s28  }
.LBB2_20:
0x19b: {  	_ =	sfence.sel $0x180000  }
0x19c: {  	[bflag:$0x0] =	sbarrier.arrive $0xFFFF  }
0x19d: {  	_ =	strace $0x90000047  }
0x19e: {  	s0 =	stileid.u32;
	[bflag:$0x2] =	sbarrier.arrive $0xFFFF  }
0x19f: {  	p0 =	sne.s32 s0, $0x0;
	s0 =	rddreg [dreg:$0x2]  }
0x1a0: {  	s0 =	sadd.s32 @!p0 $0x100000, s0  }
0x1a1: {  	[sflag:s0] =	ssyncadd.tile.s32 @!p0 $0x1;
	_ =	shalt  }
.Lfunc_end2:
_tile_overlayer_lowered:
.L_overlay_start_2:
0x1a2: {  	(tag) =	ssettag $0x2  }
0x1a3: {  	s0 =	rddreg [dreg:$0x0];
	s2 =	stileid.u32  }
0x1a4: {  	s1 =	rddreg [dreg:$0x1];
	p0 =	sne.s32 s2, $0x0  }
0x1a5: {  	s3 =	rddreg [dreg:$0x2];
	[bflag:$0x3] =	sbarrier.arrive $0xFFFF;
	s2 =	simm.s32 @!p0 $0x1C04  }
0x1a6: {  	[timem:s3], [sflag:s2] =	dma.local @!p0 [hbm:s0], s1  }
0x1a7: {  	s0 =	simm.s32 @!p0 $0x4  }
0x1a8: {  	_ =	swait.ge @!p0 [sflag:s0], s1  }
0x1a9: {  	s1 =	ssub.s32 @!p0 $0x0, s1;
	[sflag:s0] =	ssyncset.done @!p0 $0x0  }
0x1aa: {  	[sflag:s0] =	ssyncadd.s32 @!p0 s1  }
0x1ab: {  	[bflag:$0x3] =	sbarrier.arrive $0xFFFF  }
0x1ac: {  	_ =	shalt  }

</sc_bundles>
